<compile_context>
chip_gen: v7x
topology: tpu7x:2x2x1
jax: 0.10.2.dev20260603
libtpu: 0.0.44.dev20260713+nightly
codegen_flags: <defaults>
</compile_context>

<pallas_src>
import functools

import jax
import jax.numpy as jnp
from jax import lax
from jax.experimental import pallas as pl
from jax.experimental.pallas import tpu as pltpu
from jax.experimental.pallas import tpu_sc as plsc

L = 2048
D = 2048
H = 16
K = 512
BQ = 1024
NQ = L // BQ
GRID = (H, NQ)


def _lane_cumsum(x):
    col = lax.broadcasted_iota(jnp.int32, x.shape, 1)
    s = 1
    while s < x.shape[1]:
        rolled = pltpu.roll(x, s, 1)
        x = x + jnp.where(col >= s, rolled, 0.0)
        s *= 2
    return x


def _importance_topk_kernel(scores_ref, amask_ref, idx_ref, pmask_ref, acc_ref):
    h = pl.program_id(0)
    qi = pl.program_id(1)
    step = h * NQ + qi

    @pl.when(step == 0)
    def _():
        acc_ref[...] = jnp.zeros_like(acc_ref)

    blk = scores_ref[0]
    acc_ref[...] += jnp.sum(blk, axis=0, keepdims=True)

    @pl.when(step == H * NQ - 1)
    def _():
        x = acc_ref[...]
        bits = lax.bitcast_convert_type(x, jnp.int32)
        skey = jnp.where(bits >= 0, bits, bits ^ jnp.int32(0x7FFFFFFF))

        riota = lax.broadcasted_iota(jnp.int32, (16, 1), 0)
        t = jnp.int32(-2147483648)
        for shift in range(28, -1, -4):
            trials = t + (riota << shift)
            cmp = (skey >= trials).astype(jnp.float32)
            counts = jnp.sum(cmp, axis=1, keepdims=True)
            r_sel = jnp.sum((counts >= float(K)).astype(jnp.int32)) - 1
            t = t + (r_sel << shift)

        gt = skey > t
        eq = skey == t
        need = K - jnp.sum(gt.astype(jnp.int32))
        cum_eq = _lane_cumsum(eq.astype(jnp.float32))
        sel = gt | (eq & (cum_eq <= need.astype(jnp.float32)))

        rank = (_lane_cumsum(sel.astype(jnp.float32)) - 1.0).astype(jnp.int32)
        j = lax.broadcasted_iota(jnp.int32, (K + 1, L), 0)
        onehot = jnp.where((rank == j - 1) & sel, 1.0, 0.0)
        lpos = lax.broadcasted_iota(jnp.int32, (K + 1, L), 1).astype(
            jnp.float32)
        idx_ref[...] = jnp.sum(onehot * lpos, axis=1, keepdims=True).astype(
            jnp.int32).reshape(1, K + 1)
        pmask_ref[...] = jnp.sum(onehot * amask_ref[...], axis=1,
                                 keepdims=True).reshape(1, K + 1)


_importance_topk = pl.pallas_call(
    _importance_topk_kernel,
    grid=GRID,
    in_specs=[
        pl.BlockSpec((1, BQ, L), lambda h, qi: (h, qi, 0)),
        pl.BlockSpec((1, L), lambda h, qi: (0, 0)),
    ],
    out_specs=[
        pl.BlockSpec((1, K + 1), lambda h, qi: (0, 0)),
        pl.BlockSpec((1, K + 1), lambda h, qi: (0, 0)),
    ],
    out_shape=[
        jax.ShapeDtypeStruct((1, K + 1), jnp.int32),
        jax.ShapeDtypeStruct((1, K + 1), jnp.float32),
    ],
    scratch_shapes=[pltpu.VMEM((1, L), jnp.float32)],
)


@functools.cache
def _make_sc_gather():
    info = plsc.get_sparse_core_info()
    nc, ns = info.num_cores, info.num_subcores
    nw = nc * ns
    rows_per_w = (K + 1) // nw

    @functools.partial(
        pl.kernel,
        out_type=jax.ShapeDtypeStruct((K + 1, D), jnp.float32),
        mesh=plsc.VectorSubcoreMesh(core_axis_name="c", subcore_axis_name="s"),
        scratch_types=[
            pltpu.VMEM((rows_per_w,), jnp.int32),
            pltpu.VMEM((rows_per_w, D), jnp.float32),
            pltpu.VMEM((1,), jnp.int32),
            pltpu.VMEM((1, D), jnp.float32),
            pltpu.SemaphoreType.DMA,
            pltpu.SemaphoreType.DMA,
            pltpu.SemaphoreType.DMA,
            pltpu.SemaphoreType.DMA,
        ],
    )
    def _sc_gather(table_hbm, idx_hbm, out_hbm, idx_v, rows_v, idx_e, row_e,
                   sem0, sem1, wsem0, wsem1):
        half = rows_per_w // 2
        wid = lax.axis_index("s") * nc + lax.axis_index("c")
        base = wid * rows_per_w
        pltpu.sync_copy(idx_hbm.at[pl.ds(base, rows_per_w)], idx_v)
        g0 = pltpu.async_copy(table_hbm.at[idx_v.at[pl.ds(0, half)]],
                              rows_v.at[pl.ds(0, half)], sem0)
        g1 = pltpu.async_copy(table_hbm.at[idx_v.at[pl.ds(half, half)]],
                              rows_v.at[pl.ds(half, half)], sem1)
        g0.wait()
        w0 = pltpu.async_copy(rows_v.at[pl.ds(0, half)],
                              out_hbm.at[pl.ds(base, half)], wsem0)
        g1.wait()
        w1 = pltpu.async_copy(rows_v.at[pl.ds(half, half)],
                              out_hbm.at[pl.ds(base + half, half)], wsem1)

        @pl.when(wid == nw - 1)
        def _():
            last = nw * rows_per_w
            pltpu.sync_copy(idx_hbm.at[pl.ds(last, 1)], idx_e)
            pltpu.async_copy(table_hbm.at[idx_e], row_e, sem0).wait()
            pltpu.sync_copy(row_e, out_hbm.at[pl.ds(last, 1)])

        w0.wait()
        w1.wait()

    return _sc_gather


def kernel(hidden_states, attention_mask, self_attention_scores,
           Wq, bq, Wk, bk, Wv, bv, Wo, bo):
    b = hidden_states.shape[0]
    scores = self_attention_scores.reshape(H, L, L)
    amask_row = attention_mask.reshape(1, L)

    idx_full, pmask_full = _importance_topk(scores, amask_row)

    table = hidden_states.reshape(L, D)
    final = _make_sc_gather()(table, idx_full.reshape(K + 1))

    final_token = final.reshape(b, K + 1, D)
    final_attention_mask = pmask_full.reshape(b, 1, 1, K + 1)
    return (final_token, final_attention_mask)

# --- scband reference (transcript-rebuilt; emitter-appended) ---
"""Pipeline reference for scband-router-quantile-14697378087429 (READ-ONLY COPY).

The authoritative reference and input builder live on the scoring server;
editing this copy changes nothing except your own understanding.
"""

import jax, jax.numpy as jnp
import numpy as np

B, L, D = 1, 2048, 2048
H_SCORES = 16
UNITS = 256
HEADS = 4
K_PRESERVED = 512


def setup_inputs(seed: int = 0) -> dict:
    key = jax.random.key(seed)
    ks = jax.random.split(key, 12)
    s = 0.02
    return {
        'hidden_states': jax.random.normal(ks[0], (B, L, D), dtype=jnp.float32),
        'attention_mask': jnp.zeros((B, 1, 1, L), dtype=jnp.float32),
        'self_attention_scores': jax.random.normal(ks[1], (B, H_SCORES, L, L), dtype=jnp.float32),
        'Wq': jax.random.normal(ks[2], (D, UNITS), dtype=jnp.float32) * s,
        'bq': jnp.zeros((UNITS,), dtype=jnp.float32),
        'Wk': jax.random.normal(ks[3], (D, UNITS), dtype=jnp.float32) * s,
        'bk': jnp.zeros((UNITS,), dtype=jnp.float32),
        'Wv': jax.random.normal(ks[4], (D, UNITS), dtype=jnp.float32) * s,
        'bv': jnp.zeros((UNITS,), dtype=jnp.float32),
        'Wo': jax.random.normal(ks[5], (UNITS, D), dtype=jnp.float32) * s,
        'bo': jnp.zeros((D,), dtype=jnp.float32),
    }


def _split_heads(x, heads):
    b, t, u = x.shape
    return x.reshape(b, t, heads, u // heads).transpose(0, 2, 1, 3)


def reference(hidden_states, attention_mask, self_attention_scores, Wq, bq, Wk, bk, Wv, bv, Wo, bo):
    b, l, d = hidden_states.shape
    # att = softmax(attention_mask, dim=-1); sentences = bmm(att.squeeze(1), hidden_states)
    att = jax.nn.softmax(attention_mask, axis=-1)  # [B,1,1,L]
    sentences = jnp.einsum('bql,bld->bqd', att[:, 0], hidden_states)  # [B,1,D]
    key_padding_mask = attention_mask[:, 0, 0, :] < -10.0  # [B,L] bool

    # MyMultiHeadAttention(sentences, hidden_states, hidden_states)
    q = sentences @ Wq + bq  # [B,1,U]
    k = hidden_states @ Wk + bk  # [B,L,U]
    v = hidden_states @ Wv + bv  # [B,L,U]
    dh = UNITS // HEADS
    qh = _split_heads(q, HEADS)
    kh = _split_heads(k, HEADS)
    vh = _split_heads(v, HEADS)
    logits = jnp.einsum('bhqd,bhkd->bhqk', qh, kh) / jnp.sqrt(jnp.float32(dh))
    logits = jnp.where(key_padding_mask[:, None, None, :], jnp.float32(-1e9), logits)
    w = jax.nn.softmax(logits, axis=-1)
    ctx = jnp.einsum('bhqk,bhkd->bhqd', w, vh)
    ctx = ctx.transpose(0, 2, 1, 3).reshape(b, 1, UNITS)
    new_token = ctx @ Wo + bo  # [B,1,D] (unused downstream, as in original)
    attention_weights = w.mean(axis=1)  # averaged over heads (unused)

    class_token = hidden_states[:, :1, :]
    class_attention_mask = jnp.zeros((b, 1, 1, 1), dtype=attention_mask.dtype)

    # importance = self_attention_scores.mean(dim=1).sum(dim=1)
    importance_scores = self_attention_scores.mean(axis=1).sum(axis=1)  # [B,L]
    _, important_indices = jax.lax.top_k(importance_scores, K_PRESERVED)
    # boolean-mask gather in torch returns tokens in ascending index order
    sorted_idx = jnp.sort(important_indices, axis=-1)  # [B,K]
    preserved_tokens = jnp.take_along_axis(hidden_states, sorted_idx[:, :, None], axis=1)  # [B,K,D]
    preserved_attention_mask = jnp.take_along_axis(attention_mask[:, 0, 0, :], sorted_idx, axis=1)
    preserved_attention_mask = preserved_attention_mask.reshape(b, 1, 1, K_PRESERVED)

    final_token = jnp.concatenate([class_token, preserved_tokens], axis=1)  # [B,K+1,D]
    final_attention_mask = jnp.concatenate([class_attention_mask, preserved_attention_mask], axis=-1)  # [B,1,1,K+1]
    return (final_token, final_attention_mask)

if __name__ == "__main__":
    import jax
    _d = setup_inputs()
    print(jax.jit(kernel)(*tuple(_d.values())))

</pallas_src>

<mosaic_0001>
#map = affine_map<(d0, d1) -> (0, 0)>
#map1 = affine_map<(d0, d1) -> (0)>
module attributes {stable_mosaic.version = 14 : i64} {
  func.func @_sc_gather(%arg0: i32, %arg1: i32, %arg2: memref<2048x2048xf32, #tpu.memory_space<hbm>>, %arg3: memref<513xi32, #tpu.memory_space<hbm>>, %arg4: memref<513x2048xf32, #tpu.memory_space<hbm>>, %arg5: memref<16xi32, #tpu.memory_space<vmem>>, %arg6: memref<16x2048xf32, #tpu.memory_space<vmem>>, %arg7: memref<1xi32, #tpu.memory_space<vmem>>, %arg8: memref<1x2048xf32, #tpu.memory_space<vmem>>, %arg9: memref<!tpu.dma_semaphore, #tpu.memory_space<semaphore_mem>>, %arg10: memref<!tpu.dma_semaphore, #tpu.memory_space<semaphore_mem>>, %arg11: memref<!tpu.dma_semaphore, #tpu.memory_space<semaphore_mem>>, %arg12: memref<!tpu.dma_semaphore, #tpu.memory_space<semaphore_mem>>) attributes {dimension_semantics = [#tpu.dimension_semantics<core_parallel>, #tpu.dimension_semantics<subcore_parallel>], iteration_bounds = array<i64: 2, 16>, scalar_prefetch = 0 : i64, scratch_operands = 8 : i64, tpu.core_type = #tpu.core_type<sc_vector_subcore>, window_params = [{transform_indices = #map}, {transform_indices = #map1}, {transform_indices = #map}]} {
    %mul3A = arith.constant 2 : i32
    %mul3A_0 = arith.muli %arg1, %mul3A : i32
    %add3A = arith.addi %mul3A_0, %arg0 : i32
    %mul3A_1 = arith.constant 16 : i32
    %mul3A_2 = arith.muli %add3A, %mul3A_1 : i32
    "tpu.region"() ({
      %run_scoped3A = tpu.sem_alloc : memref<!tpu.dma_semaphore, #tpu.memory_space<semaphore_mem>>
      %dma_start3A_77 = tpu.memref_slice %arg3[%mul3A_2] : memref<513xi32, #tpu.memory_space<hbm>> -> memref<16xi32, #tpu.memory_space<hbm>>
      %dma_start3A_78 = tpu.memref_slice %arg3[%mul3A_2] : memref<513xi32, #tpu.memory_space<hbm>> -> memref<16xi32, #tpu.memory_space<hbm>>
      tpu.enqueue_dma source(%dma_start3A_78 : memref<16xi32, #tpu.memory_space<hbm>>) target(%arg5 : memref<16xi32, #tpu.memory_space<vmem>>) target_semaphore(%run_scoped3A : memref<!tpu.dma_semaphore, #tpu.memory_space<semaphore_mem>>)
      %dma_wait3A_79 = tpu.memref_slice %arg3[%mul3A_2] : memref<513xi32, #tpu.memory_space<hbm>> -> memref<16xi32, #tpu.memory_space<hbm>>
      %dma_wait3A_80 = tpu.memref_slice %arg3[%mul3A_2] : memref<513xi32, #tpu.memory_space<hbm>> -> memref<16xi32, #tpu.memory_space<hbm>>
      tpu.wait_dma2 semaphore(%run_scoped3A : memref<!tpu.dma_semaphore, #tpu.memory_space<semaphore_mem>>) src(%dma_wait3A_80 : memref<16xi32, #tpu.memory_space<hbm>>) dst(%arg5 : memref<16xi32, #tpu.memory_space<vmem>>)
      tpu.yield
    }) : () -> ()
    %dma_start3A = arith.constant 0 : i32
    %dma_start3A_3 = arith.constant 0 : i32
    %dma_start3A_4 = tpu.memref_slice %arg6[%dma_start3A, %dma_start3A_3] : memref<16x2048xf32, #tpu.memory_space<vmem>> -> memref<8x2048xf32, #tpu.memory_space<vmem>>
    %dma_start3A_5 = arith.constant 0 : i32
    %dma_start3A_6 = tpu.memref_slice %arg5[%dma_start3A_5] : memref<16xi32, #tpu.memory_space<vmem>> -> memref<8xi32, #tpu.memory_space<vmem>>
    %dma_start3A_7 = arith.constant 0 : i32
    %dma_start3A_8 = arith.constant 0 : i32
    %dma_start3A_9 = tpu.memref_slice %arg2[%dma_start3A_7, %dma_start3A_8] : memref<2048x2048xf32, #tpu.memory_space<hbm>> -> memref<2048x2048xf32, #tpu.memory_space<hbm>>
    tpu.enqueue_indirect_dma source(%dma_start3A_9 : memref<2048x2048xf32, #tpu.memory_space<hbm>>) target(%dma_start3A_4 : memref<8x2048xf32, #tpu.memory_space<vmem>>) offsets(%dma_start3A_6 : memref<8xi32, #tpu.memory_space<vmem>>) semaphore(%arg9 : memref<!tpu.dma_semaphore, #tpu.memory_space<semaphore_mem>>)
    %dma_start3A_10 = arith.constant 8 : i32
    %dma_start3A_11 = arith.constant 0 : i32
    %dma_start3A_12 = tpu.memref_slice %arg6[%dma_start3A_10, %dma_start3A_11] : memref<16x2048xf32, #tpu.memory_space<vmem>> -> memref<8x2048xf32, #tpu.memory_space<vmem>>
    %dma_start3A_13 = arith.constant 8 : i32
    %dma_start3A_14 = tpu.memref_slice %arg5[%dma_start3A_13] : memref<16xi32, #tpu.memory_space<vmem>> -> memref<8xi32, #tpu.memory_space<vmem>>
    %dma_start3A_15 = arith.constant 0 : i32
    %dma_start3A_16 = arith.constant 0 : i32
    %dma_start3A_17 = tpu.memref_slice %arg2[%dma_start3A_15, %dma_start3A_16] : memref<2048x2048xf32, #tpu.memory_space<hbm>> -> memref<2048x2048xf32, #tpu.memory_space<hbm>>
    tpu.enqueue_indirect_dma source(%dma_start3A_17 : memref<2048x2048xf32, #tpu.memory_space<hbm>>) target(%dma_start3A_12 : memref<8x2048xf32, #tpu.memory_space<vmem>>) offsets(%dma_start3A_14 : memref<8xi32, #tpu.memory_space<vmem>>) semaphore(%arg10 : memref<!tpu.dma_semaphore, #tpu.memory_space<semaphore_mem>>)
    %dma_wait3A = arith.constant 0 : i32
    %dma_wait3A_18 = arith.constant 0 : i32
    %dma_wait3A_19 = tpu.memref_slice %arg6[%dma_wait3A, %dma_wait3A_18] : memref<16x2048xf32, #tpu.memory_space<vmem>> -> memref<8x2048xf32, #tpu.memory_space<vmem>>
    %dma_wait3A_20 = arith.constant 0 : i32
    %dma_wait3A_21 = tpu.memref_slice %arg5[%dma_wait3A_20] : memref<16xi32, #tpu.memory_space<vmem>> -> memref<8xi32, #tpu.memory_space<vmem>>
    %dma_wait3A_22 = arith.constant 0 : i32
    %dma_wait3A_23 = arith.constant 0 : i32
    %dma_wait3A_24 = tpu.memref_slice %arg2[%dma_wait3A_22, %dma_wait3A_23] : memref<2048x2048xf32, #tpu.memory_space<hbm>> -> memref<2048x2048xf32, #tpu.memory_space<hbm>>
    tpu.wait_indirect_dma semaphore(%arg9 : memref<!tpu.dma_semaphore, #tpu.memory_space<semaphore_mem>>) src(%dma_wait3A_24 : memref<2048x2048xf32, #tpu.memory_space<hbm>>) dst(%dma_wait3A_19 : memref<8x2048xf32, #tpu.memory_space<vmem>>)
    %dma_start3A_25 = arith.constant 0 : i32
    %dma_start3A_26 = arith.constant 0 : i32
    %dma_start3A_27 = tpu.memref_slice %arg6[%dma_start3A_25, %dma_start3A_26] : memref<16x2048xf32, #tpu.memory_space<vmem>> -> memref<8x2048xf32, #tpu.memory_space<vmem>>
    %dma_start3A_28 = arith.constant 0 : i32
    %dma_start3A_29 = tpu.memref_slice %arg4[%mul3A_2, %dma_start3A_28] : memref<513x2048xf32, #tpu.memory_space<hbm>> -> memref<8x2048xf32, #tpu.memory_space<hbm>>
    %dma_start3A_30 = arith.constant 0 : i32
    %dma_start3A_31 = tpu.memref_slice %arg4[%mul3A_2, %dma_start3A_30] : memref<513x2048xf32, #tpu.memory_space<hbm>> -> memref<8x2048xf32, #tpu.memory_space<hbm>>
    %dma_start3A_32 = arith.constant 0 : i32
    %dma_start3A_33 = arith.constant 0 : i32
    %dma_start3A_34 = tpu.memref_slice %arg6[%dma_start3A_32, %dma_start3A_33] : memref<16x2048xf32, #tpu.memory_space<vmem>> -> memref<8x2048xf32, #tpu.memory_space<vmem>>
    tpu.enqueue_dma source(%dma_start3A_34 : memref<8x2048xf32, #tpu.memory_space<vmem>>) target(%dma_start3A_31 : memref<8x2048xf32, #tpu.memory_space<hbm>>) target_semaphore(%arg11 : memref<!tpu.dma_semaphore, #tpu.memory_space<semaphore_mem>>)
    %dma_wait3A_35 = arith.constant 8 : i32
    %dma_wait3A_36 = arith.constant 0 : i32
    %dma_wait3A_37 = tpu.memref_slice %arg6[%dma_wait3A_35, %dma_wait3A_36] : memref<16x2048xf32, #tpu.memory_space<vmem>> -> memref<8x2048xf32, #tpu.memory_space<vmem>>
    %dma_wait3A_38 = arith.constant 8 : i32
    %dma_wait3A_39 = tpu.memref_slice %arg5[%dma_wait3A_38] : memref<16xi32, #tpu.memory_space<vmem>> -> memref<8xi32, #tpu.memory_space<vmem>>
    %dma_wait3A_40 = arith.constant 0 : i32
    %dma_wait3A_41 = arith.constant 0 : i32
    %dma_wait3A_42 = tpu.memref_slice %arg2[%dma_wait3A_40, %dma_wait3A_41] : memref<2048x2048xf32, #tpu.memory_space<hbm>> -> memref<2048x2048xf32, #tpu.memory_space<hbm>>
    tpu.wait_indirect_dma semaphore(%arg10 : memref<!tpu.dma_semaphore, #tpu.memory_space<semaphore_mem>>) src(%dma_wait3A_42 : memref<2048x2048xf32, #tpu.memory_space<hbm>>) dst(%dma_wait3A_37 : memref<8x2048xf32, #tpu.memory_space<vmem>>)
    %add3A_43 = arith.constant 8 : i32
    %add3A_44 = arith.addi %mul3A_2, %add3A_43 : i32
    %dma_start3A_45 = arith.constant 8 : i32
    %dma_start3A_46 = arith.constant 0 : i32
    %dma_start3A_47 = tpu.memref_slice %arg6[%dma_start3A_45, %dma_start3A_46] : memref<16x2048xf32, #tpu.memory_space<vmem>> -> memref<8x2048xf32, #tpu.memory_space<vmem>>
    %dma_start3A_48 = arith.constant 0 : i32
    %dma_start3A_49 = tpu.memref_slice %arg4[%add3A_44, %dma_start3A_48] : memref<513x2048xf32, #tpu.memory_space<hbm>> -> memref<8x2048xf32, #tpu.memory_space<hbm>>
    %dma_start3A_50 = arith.constant 0 : i32
    %dma_start3A_51 = tpu.memref_slice %arg4[%add3A_44, %dma_start3A_50] : memref<513x2048xf32, #tpu.memory_space<hbm>> -> memref<8x2048xf32, #tpu.memory_space<hbm>>
    %dma_start3A_52 = arith.constant 8 : i32
    %dma_start3A_53 = arith.constant 0 : i32
    %dma_start3A_54 = tpu.memref_slice %arg6[%dma_start3A_52, %dma_start3A_53] : memref<16x2048xf32, #tpu.memory_space<vmem>> -> memref<8x2048xf32, #tpu.memory_space<vmem>>
    tpu.enqueue_dma source(%dma_start3A_54 : memref<8x2048xf32, #tpu.memory_space<vmem>>) target(%dma_start3A_51 : memref<8x2048xf32, #tpu.memory_space<hbm>>) target_semaphore(%arg12 : memref<!tpu.dma_semaphore, #tpu.memory_space<semaphore_mem>>)
    %eq3A = arith.constant 31 : i32
    %eq3A_55 = arith.cmpi eq, %add3A, %eq3A : i32
    %convert_element_type3A = arith.extui %eq3A_55 : i1 to i32
    %cond3A = arith.constant 0 : i32
    %cond3A_56 = arith.cmpi ne, %convert_element_type3A, %cond3A : i32
    scf.if %cond3A_56 {
      "tpu.region"() ({
        %run_scoped3A = tpu.sem_alloc : memref<!tpu.dma_semaphore, #tpu.memory_space<semaphore_mem>>
        %dma_start3A_83 = arith.constant 512 : i32
        %dma_start3A_84 = tpu.memref_slice %arg3[%dma_start3A_83] : memref<513xi32, #tpu.memory_space<hbm>> -> memref<1xi32, #tpu.memory_space<hbm>>
        %dma_start3A_85 = arith.constant 512 : i32
        %dma_start3A_86 = tpu.memref_slice %arg3[%dma_start3A_85] : memref<513xi32, #tpu.memory_space<hbm>> -> memref<1xi32, #tpu.memory_space<hbm>>
        tpu.enqueue_dma source(%dma_start3A_86 : memref<1xi32, #tpu.memory_space<hbm>>) target(%arg7 : memref<1xi32, #tpu.memory_space<vmem>>) target_semaphore(%run_scoped3A : memref<!tpu.dma_semaphore, #tpu.memory_space<semaphore_mem>>)
        %dma_wait3A_87 = arith.constant 512 : i32
        %dma_wait3A_88 = tpu.memref_slice %arg3[%dma_wait3A_87] : memref<513xi32, #tpu.memory_space<hbm>> -> memref<1xi32, #tpu.memory_space<hbm>>
        %dma_wait3A_89 = arith.constant 512 : i32
        %dma_wait3A_90 = tpu.memref_slice %arg3[%dma_wait3A_89] : memref<513xi32, #tpu.memory_space<hbm>> -> memref<1xi32, #tpu.memory_space<hbm>>
        tpu.wait_dma2 semaphore(%run_scoped3A : memref<!tpu.dma_semaphore, #tpu.memory_space<semaphore_mem>>) src(%dma_wait3A_90 : memref<1xi32, #tpu.memory_space<hbm>>) dst(%arg7 : memref<1xi32, #tpu.memory_space<vmem>>)
        tpu.yield
      }) : () -> ()
      %dma_start3A_77 = arith.constant 0 : i32
      %dma_start3A_78 = arith.constant 0 : i32
      %dma_start3A_79 = tpu.memref_slice %arg2[%dma_start3A_77, %dma_start3A_78] : memref<2048x2048xf32, #tpu.memory_space<hbm>> -> memref<2048x2048xf32, #tpu.memory_space<hbm>>
      tpu.enqueue_indirect_dma source(%dma_start3A_79 : memref<2048x2048xf32, #tpu.memory_space<hbm>>) target(%arg8 : memref<1x2048xf32, #tpu.memory_space<vmem>>) offsets(%arg7 : memref<1xi32, #tpu.memory_space<vmem>>) semaphore(%arg9 : memref<!tpu.dma_semaphore, #tpu.memory_space<semaphore_mem>>)
      %dma_wait3A_80 = arith.constant 0 : i32
      %dma_wait3A_81 = arith.constant 0 : i32
      %dma_wait3A_82 = tpu.memref_slice %arg2[%dma_wait3A_80, %dma_wait3A_81] : memref<2048x2048xf32, #tpu.memory_space<hbm>> -> memref<2048x2048xf32, #tpu.memory_space<hbm>>
      tpu.wait_indirect_dma semaphore(%arg9 : memref<!tpu.dma_semaphore, #tpu.memory_space<semaphore_mem>>) src(%dma_wait3A_82 : memref<2048x2048xf32, #tpu.memory_space<hbm>>) dst(%arg8 : memref<1x2048xf32, #tpu.memory_space<vmem>>)
      "tpu.region"() ({
        %run_scoped3A = tpu.sem_alloc : memref<!tpu.dma_semaphore, #tpu.memory_space<semaphore_mem>>
        %dma_start3A_83 = arith.constant 512 : i32
        %dma_start3A_84 = arith.constant 0 : i32
        %dma_start3A_85 = tpu.memref_slice %arg4[%dma_start3A_83, %dma_start3A_84] : memref<513x2048xf32, #tpu.memory_space<hbm>> -> memref<1x2048xf32, #tpu.memory_space<hbm>>
        %dma_start3A_86 = arith.constant 512 : i32
        %dma_start3A_87 = arith.constant 0 : i32
        %dma_start3A_88 = tpu.memref_slice %arg4[%dma_start3A_86, %dma_start3A_87] : memref<513x2048xf32, #tpu.memory_space<hbm>> -> memref<1x2048xf32, #tpu.memory_space<hbm>>
        tpu.enqueue_dma source(%arg8 : memref<1x2048xf32, #tpu.memory_space<vmem>>) target(%dma_start3A_88 : memref<1x2048xf32, #tpu.memory_space<hbm>>) target_semaphore(%run_scoped3A : memref<!tpu.dma_semaphore, #tpu.memory_space<semaphore_mem>>)
        %dma_wait3A_89 = arith.constant 512 : i32
        %dma_wait3A_90 = arith.constant 0 : i32
        %dma_wait3A_91 = tpu.memref_slice %arg4[%dma_wait3A_89, %dma_wait3A_90] : memref<513x2048xf32, #tpu.memory_space<hbm>> -> memref<1x2048xf32, #tpu.memory_space<hbm>>
        %dma_wait3A_92 = arith.constant 512 : i32
        %dma_wait3A_93 = arith.constant 0 : i32
        %dma_wait3A_94 = tpu.memref_slice %arg4[%dma_wait3A_92, %dma_wait3A_93] : memref<513x2048xf32, #tpu.memory_space<hbm>> -> memref<1x2048xf32, #tpu.memory_space<hbm>>
        tpu.wait_dma2 semaphore(%run_scoped3A : memref<!tpu.dma_semaphore, #tpu.memory_space<semaphore_mem>>) src(%arg8 : memref<1x2048xf32, #tpu.memory_space<vmem>>) dst(%dma_wait3A_94 : memref<1x2048xf32, #tpu.memory_space<hbm>>)
        tpu.yield
      }) : () -> ()
    } else {
    }
    %dma_wait3A_57 = arith.constant 0 : i32
    %dma_wait3A_58 = arith.constant 0 : i32
    %dma_wait3A_59 = tpu.memref_slice %arg6[%dma_wait3A_57, %dma_wait3A_58] : memref<16x2048xf32, #tpu.memory_space<vmem>> -> memref<8x2048xf32, #tpu.memory_space<vmem>>
    %dma_wait3A_60 = arith.constant 0 : i32
    %dma_wait3A_61 = tpu.memref_slice %arg4[%mul3A_2, %dma_wait3A_60] : memref<513x2048xf32, #tpu.memory_space<hbm>> -> memref<8x2048xf32, #tpu.memory_space<hbm>>
    %dma_wait3A_62 = arith.constant 0 : i32
    %dma_wait3A_63 = tpu.memref_slice %arg4[%mul3A_2, %dma_wait3A_62] : memref<513x2048xf32, #tpu.memory_space<hbm>> -> memref<8x2048xf32, #tpu.memory_space<hbm>>
    %dma_wait3A_64 = arith.constant 0 : i32
    %dma_wait3A_65 = arith.constant 0 : i32
    %dma_wait3A_66 = tpu.memref_slice %arg6[%dma_wait3A_64, %dma_wait3A_65] : memref<16x2048xf32, #tpu.memory_space<vmem>> -> memref<8x2048xf32, #tpu.memory_space<vmem>>
    tpu.wait_dma2 semaphore(%arg11 : memref<!tpu.dma_semaphore, #tpu.memory_space<semaphore_mem>>) src(%dma_wait3A_66 : memref<8x2048xf32, #tpu.memory_space<vmem>>) dst(%dma_wait3A_63 : memref<8x2048xf32, #tpu.memory_space<hbm>>)
    %dma_wait3A_67 = arith.constant 8 : i32
    %dma_wait3A_68 = arith.constant 0 : i32
    %dma_wait3A_69 = tpu.memref_slice %arg6[%dma_wait3A_67, %dma_wait3A_68] : memref<16x2048xf32, #tpu.memory_space<vmem>> -> memref<8x2048xf32, #tpu.memory_space<vmem>>
    %dma_wait3A_70 = arith.constant 0 : i32
    %dma_wait3A_71 = tpu.memref_slice %arg4[%add3A_44, %dma_wait3A_70] : memref<513x2048xf32, #tpu.memory_space<hbm>> -> memref<8x2048xf32, #tpu.memory_space<hbm>>
    %dma_wait3A_72 = arith.constant 0 : i32
    %dma_wait3A_73 = tpu.memref_slice %arg4[%add3A_44, %dma_wait3A_72] : memref<513x2048xf32, #tpu.memory_space<hbm>> -> memref<8x2048xf32, #tpu.memory_space<hbm>>
    %dma_wait3A_74 = arith.constant 8 : i32
    %dma_wait3A_75 = arith.constant 0 : i32
    %dma_wait3A_76 = tpu.memref_slice %arg6[%dma_wait3A_74, %dma_wait3A_75] : memref<16x2048xf32, #tpu.memory_space<vmem>> -> memref<8x2048xf32, #tpu.memory_space<vmem>>
    tpu.wait_dma2 semaphore(%arg12 : memref<!tpu.dma_semaphore, #tpu.memory_space<semaphore_mem>>) src(%dma_wait3A_76 : memref<8x2048xf32, #tpu.memory_space<vmem>>) dst(%dma_wait3A_73 : memref<8x2048xf32, #tpu.memory_space<hbm>>)
    return
  }
}

module attributes {stable_mosaic.version = 14 : i64} {
  func.func @_importance_topk_kernel(%arg0: i32, %arg1: i32, %arg2: memref<1x1024x2048xf32, #tpu.memory_space<vmem>>, %arg3: memref<1x2048xf32, #tpu.memory_space<vmem>>, %arg4: memref<1x513xi32, #tpu.memory_space<vmem>>, %arg5: memref<1x513xf32, #tpu.memory_space<vmem>>, %arg6: memref<1x2048xf32, #tpu.memory_space<vmem>>) attributes {dimension_semantics = [#tpu.dimension_semantics<arbitrary>, #tpu.dimension_semantics<arbitrary>], iteration_bounds = array<i64: 16, 2>, scalar_prefetch = 0 : i64, scratch_operands = 1 : i64, tpu.core_type = #tpu.core_type<tc>, window_params = [{transform_indices = @transform_0, window_bounds = array<i64: 1, 1024, 2048>}, {pipeline_mode = #tpu.pipeline_mode<synchronous>, transform_indices = @transform_1, window_bounds = array<i64: 1, 2048>}, {pipeline_mode = #tpu.pipeline_mode<synchronous>, transform_indices = @transform_2, window_bounds = array<i64: 1, 513>}, {pipeline_mode = #tpu.pipeline_mode<synchronous>, transform_indices = @transform_3, window_bounds = array<i64: 1, 513>}]} {
    %mul3A = arith.constant 2 : i32
    %mul3A_0 = arith.muli %arg0, %mul3A : i32
    %add3A = arith.addi %mul3A_0, %arg1 : i32
    %eq3A = arith.constant 0 : i32
    %eq3A_1 = arith.cmpi eq, %add3A, %eq3A : i32
    %convert_element_type3A = arith.extui %eq3A_1 : i1 to i32
    %cond3A = arith.constant 0 : i32
    %cond3A_2 = arith.cmpi ne, %convert_element_type3A, %cond3A : i32
    scf.if %cond3A_2 {
      %broadcast_in_dim3A_19 = arith.constant 0.000000e+00 : f32
      %broadcast_in_dim3A_20 = vector.broadcast %broadcast_in_dim3A_19 : f32 to vector<1x2048xf32>
      %swap3A_21 = arith.constant 0 : index
      %swap3A_22 = arith.constant 0 : index
      %swap3A_23 = vector.load %arg6[%swap3A_21, %swap3A_22] : memref<1x2048xf32, #tpu.memory_space<vmem>>, vector<1x2048xf32>
      tpu.vector_store %arg6[%swap3A_21, %swap3A_22], %broadcast_in_dim3A_20 {strides = array<i32>} : memref<1x2048xf32, #tpu.memory_space<vmem>>, vector<1x2048xf32>,
    } else {
    }
    %get3A = arith.constant 0 : index
    %get3A_3 = arith.constant 0 : index
    %get3A_4 = arith.constant 0 : index
    %get3A_5 = vector.load %arg2[%get3A, %get3A_3, %get3A_4] : memref<1x1024x2048xf32, #tpu.memory_space<vmem>>, vector<1x1024x2048xf32>
    %get3A_6 = vector.shape_cast %get3A_5 : vector<1x1024x2048xf32> to vector<1024x2048xf32>
    %get3A_7 = arith.constant 0 : index
    %get3A_8 = arith.constant 0 : index
    %get3A_9 = vector.load %arg6[%get3A_7, %get3A_8] : memref<1x2048xf32, #tpu.memory_space<vmem>>, vector<1x2048xf32>
    %reduce_sum3A = arith.constant dense<0.000000e+00> : vector<2048xf32>
    %reduce_sum3A_10 = vector.multi_reduction <add>, %get3A_6, %reduce_sum3A [0] : vector<1024x2048xf32> to vector<2048xf32>
    %broadcast_in_dim3A = vector.shape_cast %reduce_sum3A_10 : vector<2048xf32> to vector<1x2048xf32>
    %add3A_11 = arith.addf %get3A_9, %broadcast_in_dim3A : vector<1x2048xf32>
    %swap3A = arith.constant 0 : index
    %swap3A_12 = arith.constant 0 : index
    %swap3A_13 = vector.load %arg6[%swap3A, %swap3A_12] : memref<1x2048xf32, #tpu.memory_space<vmem>>, vector<1x2048xf32>
    tpu.vector_store %arg6[%swap3A, %swap3A_12], %add3A_11 {strides = array<i32>} : memref<1x2048xf32, #tpu.memory_space<vmem>>, vector<1x2048xf32>,
    %eq3A_14 = arith.constant 31 : i32
    %eq3A_15 = arith.cmpi eq, %add3A, %eq3A_14 : i32
    %convert_element_type3A_16 = arith.extui %eq3A_15 : i1 to i32
    %cond3A_17 = arith.constant 0 : i32
    %cond3A_18 = arith.cmpi ne, %convert_element_type3A_16, %cond3A_17 : i32
    scf.if %cond3A_18 {
      %get3A_19 = arith.constant 0 : index
      %get3A_20 = arith.constant 0 : index
      %get3A_21 = vector.load %arg6[%get3A_19, %get3A_20] : memref<1x2048xf32, #tpu.memory_space<vmem>>, vector<1x2048xf32>
      %bitcast_convert_type3A = tpu.bitcast %get3A_21 : vector<1x2048xf32> -> vector<1x2048xi32>
      %ge3A = arith.constant 0 : i32
      %ge3A_22 = vector.broadcast %ge3A : i32 to vector<1x2048xi32>
      %ge3A_23 = arith.cmpi sge, %bitcast_convert_type3A, %ge3A_22 : vector<1x2048xi32>
      %xor3A = arith.constant 2147483647 : i32
      %xor3A_24 = vector.broadcast %xor3A : i32 to vector<1x2048xi32>
      %xor3A_25 = arith.xori %bitcast_convert_type3A, %xor3A_24 : vector<1x2048xi32>
      %select_n3A = arith.select %ge3A_23, %bitcast_convert_type3A, %xor3A_25 : vector<1x2048xi1>, vector<1x2048xi32>
      %iota3A = tpu.iota {dimensions = array<i32: 0>} : vector<16x1xi32>
      %shift_left3A = arith.constant 28 : i32
      %shift_left3A_26 = vector.broadcast %shift_left3A : i32 to vector<16x1xi32>
      %shift_left3A_27 = arith.shli %iota3A, %shift_left3A_26 : vector<16x1xi32>
      %add3A_28 = arith.constant -2147483648 : i32
      %add3A_29 = vector.broadcast %add3A_28 : i32 to vector<16x1xi32>
      %add3A_30 = arith.addi %add3A_29, %shift_left3A_27 : vector<16x1xi32>
      %ge3A_31 = vector.broadcast %select_n3A : vector<1x2048xi32> to vector<16x2048xi32>
      %ge3A_32 = vector.broadcast %add3A_30 : vector<16x1xi32> to vector<16x2048xi32>
      %ge3A_33 = arith.cmpi sge, %ge3A_31, %ge3A_32 : vector<16x2048xi32>
      %convert_element_type3A_34 = arith.extui %ge3A_33 : vector<16x2048xi1> to vector<16x2048xi32>
      %convert_element_type3A_35 = arith.sitofp %convert_element_type3A_34 : vector<16x2048xi32> to vector<16x2048xf32>
      %reduce_sum3A_36 = arith.constant dense<0.000000e+00> : vector<16xf32>
      %reduce_sum3A_37 = vector.multi_reduction <add>, %convert_element_type3A_35, %reduce_sum3A_36 [1] : vector<16x2048xf32> to vector<16xf32>
      %broadcast_in_dim3A_38 = vector.shape_cast %reduce_sum3A_37 : vector<16xf32> to vector<16x1xf32>
      %ge3A_39 = arith.constant 5.120000e+02 : f32
      %ge3A_40 = vector.broadcast %ge3A_39 : f32 to vector<16x1xf32>
      %ge3A_41 = arith.cmpf oge, %broadcast_in_dim3A_38, %ge3A_40 : vector<16x1xf32>
      %convert_element_type3A_42 = arith.extui %ge3A_41 : vector<16x1xi1> to vector<16x1xi32>
      %reduce_sum3A_43 = vector.shape_cast %convert_element_type3A_42 : vector<16x1xi32> to vector<1x16x1xi32>
      %reduce_sum3A_44 = arith.constant dense<0> : vector<1xi32>
      %reduce_sum3A_45 = vector.multi_reduction <add>, %reduce_sum3A_43, %reduce_sum3A_44 [1, 2] : vector<1x16x1xi32> to vector<1xi32>
      %reduce_sum3A_46 = vector.shape_cast %reduce_sum3A_45 : vector<1xi32> to vector<1x1x1xi32>
      %reduce_sum3A_47 = vector.extract %reduce_sum3A_46[0, 0, 0] : i32 from vector<1x1x1xi32>
      %sub3A = arith.constant 1 : i32
      %sub3A_48 = arith.subi %reduce_sum3A_47, %sub3A : i32
      %shift_left3A_49 = arith.constant 28 : i32
      %shift_left3A_50 = arith.shli %sub3A_48, %shift_left3A_49 : i32
      %add3A_51 = arith.constant -2147483648 : i32
      %add3A_52 = arith.addi %add3A_51, %shift_left3A_50 : i32
      %shift_left3A_53 = arith.constant 24 : i32
      %shift_left3A_54 = vector.broadcast %shift_left3A_53 : i32 to vector<16x1xi32>
      %shift_left3A_55 = arith.shli %iota3A, %shift_left3A_54 : vector<16x1xi32>
      %add3A_56 = vector.broadcast %add3A_52 : i32 to vector<16x1xi32>
      %add3A_57 = arith.addi %add3A_56, %shift_left3A_55 : vector<16x1xi32>
      %ge3A_58 = vector.broadcast %select_n3A : vector<1x2048xi32> to vector<16x2048xi32>
      %ge3A_59 = vector.broadcast %add3A_57 : vector<16x1xi32> to vector<16x2048xi32>
      %ge3A_60 = arith.cmpi sge, %ge3A_58, %ge3A_59 : vector<16x2048xi32>
      %convert_element_type3A_61 = arith.extui %ge3A_60 : vector<16x2048xi1> to vector<16x2048xi32>
      %convert_element_type3A_62 = arith.sitofp %convert_element_type3A_61 : vector<16x2048xi32> to vector<16x2048xf32>
      %reduce_sum3A_63 = arith.constant dense<0.000000e+00> : vector<16xf32>
      %reduce_sum3A_64 = vector.multi_reduction <add>, %convert_element_type3A_62, %reduce_sum3A_63 [1] : vector<16x2048xf32> to vector<16xf32>
      %broadcast_in_dim3A_65 = vector.shape_cast %reduce_sum3A_64 : vector<16xf32> to vector<16x1xf32>
      %ge3A_66 = arith.constant 5.120000e+02 : f32
      %ge3A_67 = vector.broadcast %ge3A_66 : f32 to vector<16x1xf32>
      %ge3A_68 = arith.cmpf oge, %broadcast_in_dim3A_65, %ge3A_67 : vector<16x1xf32>
      %convert_element_type3A_69 = arith.extui %ge3A_68 : vector<16x1xi1> to vector<16x1xi32>
      %reduce_sum3A_70 = vector.shape_cast %convert_element_type3A_69 : vector<16x1xi32> to vector<1x16x1xi32>
      %reduce_sum3A_71 = arith.constant dense<0> : vector<1xi32>
      %reduce_sum3A_72 = vector.multi_reduction <add>, %reduce_sum3A_70, %reduce_sum3A_71 [1, 2] : vector<1x16x1xi32> to vector<1xi32>
      %reduce_sum3A_73 = vector.shape_cast %reduce_sum3A_72 : vector<1xi32> to vector<1x1x1xi32>
      %reduce_sum3A_74 = vector.extract %reduce_sum3A_73[0, 0, 0] : i32 from vector<1x1x1xi32>
      %sub3A_75 = arith.constant 1 : i32
      %sub3A_76 = arith.subi %reduce_sum3A_74, %sub3A_75 : i32
      %shift_left3A_77 = arith.constant 24 : i32
      %shift_left3A_78 = arith.shli %sub3A_76, %shift_left3A_77 : i32
      %add3A_79 = arith.addi %add3A_52, %shift_left3A_78 : i32
      %shift_left3A_80 = arith.constant 20 : i32
      %shift_left3A_81 = vector.broadcast %shift_left3A_80 : i32 to vector<16x1xi32>
      %shift_left3A_82 = arith.shli %iota3A, %shift_left3A_81 : vector<16x1xi32>
      %add3A_83 = vector.broadcast %add3A_79 : i32 to vector<16x1xi32>
      %add3A_84 = arith.addi %add3A_83, %shift_left3A_82 : vector<16x1xi32>
      %ge3A_85 = vector.broadcast %select_n3A : vector<1x2048xi32> to vector<16x2048xi32>
      %ge3A_86 = vector.broadcast %add3A_84 : vector<16x1xi32> to vector<16x2048xi32>
      %ge3A_87 = arith.cmpi sge, %ge3A_85, %ge3A_86 : vector<16x2048xi32>
      %convert_element_type3A_88 = arith.extui %ge3A_87 : vector<16x2048xi1> to vector<16x2048xi32>
      %convert_element_type3A_89 = arith.sitofp %convert_element_type3A_88 : vector<16x2048xi32> to vector<16x2048xf32>
      %reduce_sum3A_90 = arith.constant dense<0.000000e+00> : vector<16xf32>
      %reduce_sum3A_91 = vector.multi_reduction <add>, %convert_element_type3A_89, %reduce_sum3A_90 [1] : vector<16x2048xf32> to vector<16xf32>
      %broadcast_in_dim3A_92 = vector.shape_cast %reduce_sum3A_91 : vector<16xf32> to vector<16x1xf32>
      %ge3A_93 = arith.constant 5.120000e+02 : f32
      %ge3A_94 = vector.broadcast %ge3A_93 : f32 to vector<16x1xf32>
      %ge3A_95 = arith.cmpf oge, %broadcast_in_dim3A_92, %ge3A_94 : vector<16x1xf32>
      %convert_element_type3A_96 = arith.extui %ge3A_95 : vector<16x1xi1> to vector<16x1xi32>
      %reduce_sum3A_97 = vector.shape_cast %convert_element_type3A_96 : vector<16x1xi32> to vector<1x16x1xi32>
      %reduce_sum3A_98 = arith.constant dense<0> : vector<1xi32>
      %reduce_sum3A_99 = vector.multi_reduction <add>, %reduce_sum3A_97, %reduce_sum3A_98 [1, 2] : vector<1x16x1xi32> to vector<1xi32>
      %reduce_sum3A_100 = vector.shape_cast %reduce_sum3A_99 : vector<1xi32> to vector<1x1x1xi32>
      %reduce_sum3A_101 = vector.extract %reduce_sum3A_100[0, 0, 0] : i32 from vector<1x1x1xi32>
      %sub3A_102 = arith.constant 1 : i32
      %sub3A_103 = arith.subi %reduce_sum3A_101, %sub3A_102 : i32
      %shift_left3A_104 = arith.constant 20 : i32
      %shift_left3A_105 = arith.shli %sub3A_103, %shift_left3A_104 : i32
      %add3A_106 = arith.addi %add3A_79, %shift_left3A_105 : i32
      %shift_left3A_107 = arith.constant 16 : i32
      %shift_left3A_108 = vector.broadcast %shift_left3A_107 : i32 to vector<16x1xi32>
      %shift_left3A_109 = arith.shli %iota3A, %shift_left3A_108 : vector<16x1xi32>
      %add3A_110 = vector.broadcast %add3A_106 : i32 to vector<16x1xi32>
      %add3A_111 = arith.addi %add3A_110, %shift_left3A_109 : vector<16x1xi32>
      %ge3A_112 = vector.broadcast %select_n3A : vector<1x2048xi32> to vector<16x2048xi32>
      %ge3A_113 = vector.broadcast %add3A_111 : vector<16x1xi32> to vector<16x2048xi32>
      %ge3A_114 = arith.cmpi sge, %ge3A_112, %ge3A_113 : vector<16x2048xi32>
      %convert_element_type3A_115 = arith.extui %ge3A_114 : vector<16x2048xi1> to vector<16x2048xi32>
      %convert_element_type3A_116 = arith.sitofp %convert_element_type3A_115 : vector<16x2048xi32> to vector<16x2048xf32>
      %reduce_sum3A_117 = arith.constant dense<0.000000e+00> : vector<16xf32>
      %reduce_sum3A_118 = vector.multi_reduction <add>, %convert_element_type3A_116, %reduce_sum3A_117 [1] : vector<16x2048xf32> to vector<16xf32>
      %broadcast_in_dim3A_119 = vector.shape_cast %reduce_sum3A_118 : vector<16xf32> to vector<16x1xf32>
      %ge3A_120 = arith.constant 5.120000e+02 : f32
      %ge3A_121 = vector.broadcast %ge3A_120 : f32 to vector<16x1xf32>
      %ge3A_122 = arith.cmpf oge, %broadcast_in_dim3A_119, %ge3A_121 : vector<16x1xf32>
      %convert_element_type3A_123 = arith.extui %ge3A_122 : vector<16x1xi1> to vector<16x1xi32>
      %reduce_sum3A_124 = vector.shape_cast %convert_element_type3A_123 : vector<16x1xi32> to vector<1x16x1xi32>
      %reduce_sum3A_125 = arith.constant dense<0> : vector<1xi32>
      %reduce_sum3A_126 = vector.multi_reduction <add>, %reduce_sum3A_124, %reduce_sum3A_125 [1, 2] : vector<1x16x1xi32> to vector<1xi32>
      %reduce_sum3A_127 = vector.shape_cast %reduce_sum3A_126 : vector<1xi32> to vector<1x1x1xi32>
      %reduce_sum3A_128 = vector.extract %reduce_sum3A_127[0, 0, 0] : i32 from vector<1x1x1xi32>
      %sub3A_129 = arith.constant 1 : i32
      %sub3A_130 = arith.subi %reduce_sum3A_128, %sub3A_129 : i32
      %shift_left3A_131 = arith.constant 16 : i32
      %shift_left3A_132 = arith.shli %sub3A_130, %shift_left3A_131 : i32
      %add3A_133 = arith.addi %add3A_106, %shift_left3A_132 : i32
      %shift_left3A_134 = arith.constant 12 : i32
      %shift_left3A_135 = vector.broadcast %shift_left3A_134 : i32 to vector<16x1xi32>
      %shift_left3A_136 = arith.shli %iota3A, %shift_left3A_135 : vector<16x1xi32>
      %add3A_137 = vector.broadcast %add3A_133 : i32 to vector<16x1xi32>
      %add3A_138 = arith.addi %add3A_137, %shift_left3A_136 : vector<16x1xi32>
      %ge3A_139 = vector.broadcast %select_n3A : vector<1x2048xi32> to vector<16x2048xi32>
      %ge3A_140 = vector.broadcast %add3A_138 : vector<16x1xi32> to vector<16x2048xi32>
      %ge3A_141 = arith.cmpi sge, %ge3A_139, %ge3A_140 : vector<16x2048xi32>
      %convert_element_type3A_142 = arith.extui %ge3A_141 : vector<16x2048xi1> to vector<16x2048xi32>
      %convert_element_type3A_143 = arith.sitofp %convert_element_type3A_142 : vector<16x2048xi32> to vector<16x2048xf32>
      %reduce_sum3A_144 = arith.constant dense<0.000000e+00> : vector<16xf32>
      %reduce_sum3A_145 = vector.multi_reduction <add>, %convert_element_type3A_143, %reduce_sum3A_144 [1] : vector<16x2048xf32> to vector<16xf32>
      %broadcast_in_dim3A_146 = vector.shape_cast %reduce_sum3A_145 : vector<16xf32> to vector<16x1xf32>
      %ge3A_147 = arith.constant 5.120000e+02 : f32
      %ge3A_148 = vector.broadcast %ge3A_147 : f32 to vector<16x1xf32>
      %ge3A_149 = arith.cmpf oge, %broadcast_in_dim3A_146, %ge3A_148 : vector<16x1xf32>
      %convert_element_type3A_150 = arith.extui %ge3A_149 : vector<16x1xi1> to vector<16x1xi32>
      %reduce_sum3A_151 = vector.shape_cast %convert_element_type3A_150 : vector<16x1xi32> to vector<1x16x1xi32>
      %reduce_sum3A_152 = arith.constant dense<0> : vector<1xi32>
      %reduce_sum3A_153 = vector.multi_reduction <add>, %reduce_sum3A_151, %reduce_sum3A_152 [1, 2] : vector<1x16x1xi32> to vector<1xi32>
      %reduce_sum3A_154 = vector.shape_cast %reduce_sum3A_153 : vector<1xi32> to vector<1x1x1xi32>
      %reduce_sum3A_155 = vector.extract %reduce_sum3A_154[0, 0, 0] : i32 from vector<1x1x1xi32>
      %sub3A_156 = arith.constant 1 : i32
      %sub3A_157 = arith.subi %reduce_sum3A_155, %sub3A_156 : i32
      %shift_left3A_158 = arith.constant 12 : i32
      %shift_left3A_159 = arith.shli %sub3A_157, %shift_left3A_158 : i32
      %add3A_160 = arith.addi %add3A_133, %shift_left3A_159 : i32
      %shift_left3A_161 = arith.constant 8 : i32
      %shift_left3A_162 = vector.broadcast %shift_left3A_161 : i32 to vector<16x1xi32>
      %shift_left3A_163 = arith.shli %iota3A, %shift_left3A_162 : vector<16x1xi32>
      %add3A_164 = vector.broadcast %add3A_160 : i32 to vector<16x1xi32>
      %add3A_165 = arith.addi %add3A_164, %shift_left3A_163 : vector<16x1xi32>
      %ge3A_166 = vector.broadcast %select_n3A : vector<1x2048xi32> to vector<16x2048xi32>
      %ge3A_167 = vector.broadcast %add3A_165 : vector<16x1xi32> to vector<16x2048xi32>
      %ge3A_168 = arith.cmpi sge, %ge3A_166, %ge3A_167 : vector<16x2048xi32>
      %convert_element_type3A_169 = arith.extui %ge3A_168 : vector<16x2048xi1> to vector<16x2048xi32>
      %convert_element_type3A_170 = arith.sitofp %convert_element_type3A_169 : vector<16x2048xi32> to vector<16x2048xf32>
      %reduce_sum3A_171 = arith.constant dense<0.000000e+00> : vector<16xf32>
      %reduce_sum3A_172 = vector.multi_reduction <add>, %convert_element_type3A_170, %reduce_sum3A_171 [1] : vector<16x2048xf32> to vector<16xf32>
      %broadcast_in_dim3A_173 = vector.shape_cast %reduce_sum3A_172 : vector<16xf32> to vector<16x1xf32>
      %ge3A_174 = arith.constant 5.120000e+02 : f32
      %ge3A_175 = vector.broadcast %ge3A_174 : f32 to vector<16x1xf32>
      %ge3A_176 = arith.cmpf oge, %broadcast_in_dim3A_173, %ge3A_175 : vector<16x1xf32>
      %convert_element_type3A_177 = arith.extui %ge3A_176 : vector<16x1xi1> to vector<16x1xi32>
      %reduce_sum3A_178 = vector.shape_cast %convert_element_type3A_177 : vector<16x1xi32> to vector<1x16x1xi32>
      %reduce_sum3A_179 = arith.constant dense<0> : vector<1xi32>
      %reduce_sum3A_180 = vector.multi_reduction <add>, %reduce_sum3A_178, %reduce_sum3A_179 [1, 2] : vector<1x16x1xi32> to vector<1xi32>
      %reduce_sum3A_181 = vector.shape_cast %reduce_sum3A_180 : vector<1xi32> to vector<1x1x1xi32>
      %reduce_sum3A_182 = vector.extract %reduce_sum3A_181[0, 0, 0] : i32 from vector<1x1x1xi32>
      %sub3A_183 = arith.constant 1 : i32
      %sub3A_184 = arith.subi %reduce_sum3A_182, %sub3A_183 : i32
      %shift_left3A_185 = arith.constant 8 : i32
      %shift_left3A_186 = arith.shli %sub3A_184, %shift_left3A_185 : i32
      %add3A_187 = arith.addi %add3A_160, %shift_left3A_186 : i32
      %shift_left3A_188 = arith.constant 4 : i32
      %shift_left3A_189 = vector.broadcast %shift_left3A_188 : i32 to vector<16x1xi32>
      %shift_left3A_190 = arith.shli %iota3A, %shift_left3A_189 : vector<16x1xi32>
      %add3A_191 = vector.broadcast %add3A_187 : i32 to vector<16x1xi32>
      %add3A_192 = arith.addi %add3A_191, %shift_left3A_190 : vector<16x1xi32>
      %ge3A_193 = vector.broadcast %select_n3A : vector<1x2048xi32> to vector<16x2048xi32>
      %ge3A_194 = vector.broadcast %add3A_192 : vector<16x1xi32> to vector<16x2048xi32>
      %ge3A_195 = arith.cmpi sge, %ge3A_193, %ge3A_194 : vector<16x2048xi32>
      %convert_element_type3A_196 = arith.extui %ge3A_195 : vector<16x2048xi1> to vector<16x2048xi32>
      %convert_element_type3A_197 = arith.sitofp %convert_element_type3A_196 : vector<16x2048xi32> to vector<16x2048xf32>
      %reduce_sum3A_198 = arith.constant dense<0.000000e+00> : vector<16xf32>
      %reduce_sum3A_199 = vector.multi_reduction <add>, %convert_element_type3A_197, %reduce_sum3A_198 [1] : vector<16x2048xf32> to vector<16xf32>
      %broadcast_in_dim3A_200 = vector.shape_cast %reduce_sum3A_199 : vector<16xf32> to vector<16x1xf32>
      %ge3A_201 = arith.constant 5.120000e+02 : f32
      %ge3A_202 = vector.broadcast %ge3A_201 : f32 to vector<16x1xf32>
      %ge3A_203 = arith.cmpf oge, %broadcast_in_dim3A_200, %ge3A_202 : vector<16x1xf32>
      %convert_element_type3A_204 = arith.extui %ge3A_203 : vector<16x1xi1> to vector<16x1xi32>
      %reduce_sum3A_205 = vector.shape_cast %convert_element_type3A_204 : vector<16x1xi32> to vector<1x16x1xi32>
      %reduce_sum3A_206 = arith.constant dense<0> : vector<1xi32>
      %reduce_sum3A_207 = vector.multi_reduction <add>, %reduce_sum3A_205, %reduce_sum3A_206 [1, 2] : vector<1x16x1xi32> to vector<1xi32>
      %reduce_sum3A_208 = vector.shape_cast %reduce_sum3A_207 : vector<1xi32> to vector<1x1x1xi32>
      %reduce_sum3A_209 = vector.extract %reduce_sum3A_208[0, 0, 0] : i32 from vector<1x1x1xi32>
      %sub3A_210 = arith.constant 1 : i32
      %sub3A_211 = arith.subi %reduce_sum3A_209, %sub3A_210 : i32
      %shift_left3A_212 = arith.constant 4 : i32
      %shift_left3A_213 = arith.shli %sub3A_211, %shift_left3A_212 : i32
      %add3A_214 = arith.addi %add3A_187, %shift_left3A_213 : i32
      %shift_left3A_215 = arith.constant 0 : i32
      %shift_left3A_216 = vector.broadcast %shift_left3A_215 : i32 to vector<16x1xi32>
      %shift_left3A_217 = arith.shli %iota3A, %shift_left3A_216 : vector<16x1xi32>
      %add3A_218 = vector.broadcast %add3A_214 : i32 to vector<16x1xi32>
      %add3A_219 = arith.addi %add3A_218, %shift_left3A_217 : vector<16x1xi32>
      %ge3A_220 = vector.broadcast %select_n3A : vector<1x2048xi32> to vector<16x2048xi32>
      %ge3A_221 = vector.broadcast %add3A_219 : vector<16x1xi32> to vector<16x2048xi32>
      %ge3A_222 = arith.cmpi sge, %ge3A_220, %ge3A_221 : vector<16x2048xi32>
      %convert_element_type3A_223 = arith.extui %ge3A_222 : vector<16x2048xi1> to vector<16x2048xi32>
      %convert_element_type3A_224 = arith.sitofp %convert_element_type3A_223 : vector<16x2048xi32> to vector<16x2048xf32>
      %reduce_sum3A_225 = arith.constant dense<0.000000e+00> : vector<16xf32>
      %reduce_sum3A_226 = vector.multi_reduction <add>, %convert_element_type3A_224, %reduce_sum3A_225 [1] : vector<16x2048xf32> to vector<16xf32>
      %broadcast_in_dim3A_227 = vector.shape_cast %reduce_sum3A_226 : vector<16xf32> to vector<16x1xf32>
      %ge3A_228 = arith.constant 5.120000e+02 : f32
      %ge3A_229 = vector.broadcast %ge3A_228 : f32 to vector<16x1xf32>
      %ge3A_230 = arith.cmpf oge, %broadcast_in_dim3A_227, %ge3A_229 : vector<16x1xf32>
      %convert_element_type3A_231 = arith.extui %ge3A_230 : vector<16x1xi1> to vector<16x1xi32>
      %reduce_sum3A_232 = vector.shape_cast %convert_element_type3A_231 : vector<16x1xi32> to vector<1x16x1xi32>
      %reduce_sum3A_233 = arith.constant dense<0> : vector<1xi32>
      %reduce_sum3A_234 = vector.multi_reduction <add>, %reduce_sum3A_232, %reduce_sum3A_233 [1, 2] : vector<1x16x1xi32> to vector<1xi32>
      %reduce_sum3A_235 = vector.shape_cast %reduce_sum3A_234 : vector<1xi32> to vector<1x1x1xi32>
      %reduce_sum3A_236 = vector.extract %reduce_sum3A_235[0, 0, 0] : i32 from vector<1x1x1xi32>
      %sub3A_237 = arith.constant 1 : i32
      %sub3A_238 = arith.subi %reduce_sum3A_236, %sub3A_237 : i32
      %shift_left3A_239 = arith.constant 0 : i32
      %shift_left3A_240 = arith.shli %sub3A_238, %shift_left3A_239 : i32
      %add3A_241 = arith.addi %add3A_214, %shift_left3A_240 : i32
      %gt3A = vector.broadcast %add3A_241 : i32 to vector<1x2048xi32>
      %gt3A_242 = arith.cmpi sgt, %select_n3A, %gt3A : vector<1x2048xi32>
      %eq3A_243 = vector.broadcast %add3A_241 : i32 to vector<1x2048xi32>
      %eq3A_244 = arith.cmpi eq, %select_n3A, %eq3A_243 : vector<1x2048xi32>
      %convert_element_type3A_245 = arith.extui %gt3A_242 : vector<1x2048xi1> to vector<1x2048xi32>
      %reduce_sum3A_246 = vector.shape_cast %convert_element_type3A_245 : vector<1x2048xi32> to vector<1x1x2048xi32>
      %reduce_sum3A_247 = arith.constant dense<0> : vector<1xi32>
      %reduce_sum3A_248 = vector.multi_reduction <add>, %reduce_sum3A_246, %reduce_sum3A_247 [1, 2] : vector<1x1x2048xi32> to vector<1xi32>
      %reduce_sum3A_249 = vector.shape_cast %reduce_sum3A_248 : vector<1xi32> to vector<1x1x1xi32>
      %reduce_sum3A_250 = vector.extract %reduce_sum3A_249[0, 0, 0] : i32 from vector<1x1x1xi32>
      %sub3A_251 = arith.constant 512 : i32
      %sub3A_252 = arith.subi %sub3A_251, %reduce_sum3A_250 : i32
      %convert_element_type3A_253 = arith.extui %eq3A_244 : vector<1x2048xi1> to vector<1x2048xi32>
      %convert_element_type3A_254 = arith.sitofp %convert_element_type3A_253 : vector<1x2048xi32> to vector<1x2048xf32>
      %iota3A_255 = tpu.iota {dimensions = array<i32: 1>} : vector<1x2048xi32>
      %roll3A = arith.constant 1 : i32
      %roll3A_256 = tpu.dynamic_rotate %convert_element_type3A_254 by %roll3A dim 1 : vector<1x2048xf32>, i32 -> vector<1x2048xf32>
      %ge3A_257 = arith.constant 1 : i32
      %ge3A_258 = vector.broadcast %ge3A_257 : i32 to vector<1x2048xi32>
      %ge3A_259 = arith.cmpi sge, %iota3A_255, %ge3A_258 : vector<1x2048xi32>
      %jit3A = arith.constant 0.000000e+00 : f32
      %broadcast_in_dim3A_260 = vector.broadcast %jit3A : f32 to vector<1x2048xf32>
      %select_n3A_261 = arith.select %ge3A_259, %roll3A_256, %broadcast_in_dim3A_260 : vector<1x2048xi1>, vector<1x2048xf32>
      %add3A_262 = arith.addf %convert_element_type3A_254, %select_n3A_261 : vector<1x2048xf32>
      %roll3A_263 = arith.constant 2 : i32
      %roll3A_264 = tpu.dynamic_rotate %add3A_262 by %roll3A_263 dim 1 : vector<1x2048xf32>, i32 -> vector<1x2048xf32>
      %ge3A_265 = arith.constant 2 : i32
      %ge3A_266 = vector.broadcast %ge3A_265 : i32 to vector<1x2048xi32>
      %ge3A_267 = arith.cmpi sge, %iota3A_255, %ge3A_266 : vector<1x2048xi32>
      %jit3A_268 = arith.constant 0.000000e+00 : f32
      %broadcast_in_dim3A_269 = vector.broadcast %jit3A_268 : f32 to vector<1x2048xf32>
      %select_n3A_270 = arith.select %ge3A_267, %roll3A_264, %broadcast_in_dim3A_269 : vector<1x2048xi1>, vector<1x2048xf32>
      %add3A_271 = arith.addf %add3A_262, %select_n3A_270 : vector<1x2048xf32>
      %roll3A_272 = arith.constant 4 : i32
      %roll3A_273 = tpu.dynamic_rotate %add3A_271 by %roll3A_272 dim 1 : vector<1x2048xf32>, i32 -> vector<1x2048xf32>
      %ge3A_274 = arith.constant 4 : i32
      %ge3A_275 = vector.broadcast %ge3A_274 : i32 to vector<1x2048xi32>
      %ge3A_276 = arith.cmpi sge, %iota3A_255, %ge3A_275 : vector<1x2048xi32>
      %jit3A_277 = arith.constant 0.000000e+00 : f32
      %broadcast_in_dim3A_278 = vector.broadcast %jit3A_277 : f32 to vector<1x2048xf32>
      %select_n3A_279 = arith.select %ge3A_276, %roll3A_273, %broadcast_in_dim3A_278 : vector<1x2048xi1>, vector<1x2048xf32>
      %add3A_280 = arith.addf %add3A_271, %select_n3A_279 : vector<1x2048xf32>
      %roll3A_281 = arith.constant 8 : i32
      %roll3A_282 = tpu.dynamic_rotate %add3A_280 by %roll3A_281 dim 1 : vector<1x2048xf32>, i32 -> vector<1x2048xf32>
      %ge3A_283 = arith.constant 8 : i32
      %ge3A_284 = vector.broadcast %ge3A_283 : i32 to vector<1x2048xi32>
      %ge3A_285 = arith.cmpi sge, %iota3A_255, %ge3A_284 : vector<1x2048xi32>
      %jit3A_286 = arith.constant 0.000000e+00 : f32
      %broadcast_in_dim3A_287 = vector.broadcast %jit3A_286 : f32 to vector<1x2048xf32>
      %select_n3A_288 = arith.select %ge3A_285, %roll3A_282, %broadcast_in_dim3A_287 : vector<1x2048xi1>, vector<1x2048xf32>
      %add3A_289 = arith.addf %add3A_280, %select_n3A_288 : vector<1x2048xf32>
      %roll3A_290 = arith.constant 16 : i32
      %roll3A_291 = tpu.dynamic_rotate %add3A_289 by %roll3A_290 dim 1 : vector<1x2048xf32>, i32 -> vector<1x2048xf32>
      %ge3A_292 = arith.constant 16 : i32
      %ge3A_293 = vector.broadcast %ge3A_292 : i32 to vector<1x2048xi32>
      %ge3A_294 = arith.cmpi sge, %iota3A_255, %ge3A_293 : vector<1x2048xi32>
      %jit3A_295 = arith.constant 0.000000e+00 : f32
      %broadcast_in_dim3A_296 = vector.broadcast %jit3A_295 : f32 to vector<1x2048xf32>
      %select_n3A_297 = arith.select %ge3A_294, %roll3A_291, %broadcast_in_dim3A_296 : vector<1x2048xi1>, vector<1x2048xf32>
      %add3A_298 = arith.addf %add3A_289, %select_n3A_297 : vector<1x2048xf32>
      %roll3A_299 = arith.constant 32 : i32
      %roll3A_300 = tpu.dynamic_rotate %add3A_298 by %roll3A_299 dim 1 : vector<1x2048xf32>, i32 -> vector<1x2048xf32>
      %ge3A_301 = arith.constant 32 : i32
      %ge3A_302 = vector.broadcast %ge3A_301 : i32 to vector<1x2048xi32>
      %ge3A_303 = arith.cmpi sge, %iota3A_255, %ge3A_302 : vector<1x2048xi32>
      %jit3A_304 = arith.constant 0.000000e+00 : f32
      %broadcast_in_dim3A_305 = vector.broadcast %jit3A_304 : f32 to vector<1x2048xf32>
      %select_n3A_306 = arith.select %ge3A_303, %roll3A_300, %broadcast_in_dim3A_305 : vector<1x2048xi1>, vector<1x2048xf32>
      %add3A_307 = arith.addf %add3A_298, %select_n3A_306 : vector<1x2048xf32>
      %roll3A_308 = arith.constant 64 : i32
      %roll3A_309 = tpu.dynamic_rotate %add3A_307 by %roll3A_308 dim 1 : vector<1x2048xf32>, i32 -> vector<1x2048xf32>
      %ge3A_310 = arith.constant 64 : i32
      %ge3A_311 = vector.broadcast %ge3A_310 : i32 to vector<1x2048xi32>
      %ge3A_312 = arith.cmpi sge, %iota3A_255, %ge3A_311 : vector<1x2048xi32>
      %jit3A_313 = arith.constant 0.000000e+00 : f32
      %broadcast_in_dim3A_314 = vector.broadcast %jit3A_313 : f32 to vector<1x2048xf32>
      %select_n3A_315 = arith.select %ge3A_312, %roll3A_309, %broadcast_in_dim3A_314 : vector<1x2048xi1>, vector<1x2048xf32>
      %add3A_316 = arith.addf %add3A_307, %select_n3A_315 : vector<1x2048xf32>
      %roll3A_317 = arith.constant 128 : i32
      %roll3A_318 = tpu.dynamic_rotate %add3A_316 by %roll3A_317 dim 1 : vector<1x2048xf32>, i32 -> vector<1x2048xf32>
      %ge3A_319 = arith.constant 128 : i32
      %ge3A_320 = vector.broadcast %ge3A_319 : i32 to vector<1x2048xi32>
      %ge3A_321 = arith.cmpi sge, %iota3A_255, %ge3A_320 : vector<1x2048xi32>
      %jit3A_322 = arith.constant 0.000000e+00 : f32
      %broadcast_in_dim3A_323 = vector.broadcast %jit3A_322 : f32 to vector<1x2048xf32>
      %select_n3A_324 = arith.select %ge3A_321, %roll3A_318, %broadcast_in_dim3A_323 : vector<1x2048xi1>, vector<1x2048xf32>
      %add3A_325 = arith.addf %add3A_316, %select_n3A_324 : vector<1x2048xf32>
      %roll3A_326 = arith.constant 256 : i32
      %roll3A_327 = tpu.dynamic_rotate %add3A_325 by %roll3A_326 dim 1 : vector<1x2048xf32>, i32 -> vector<1x2048xf32>
      %ge3A_328 = arith.constant 256 : i32
      %ge3A_329 = vector.broadcast %ge3A_328 : i32 to vector<1x2048xi32>
      %ge3A_330 = arith.cmpi sge, %iota3A_255, %ge3A_329 : vector<1x2048xi32>
      %jit3A_331 = arith.constant 0.000000e+00 : f32
      %broadcast_in_dim3A_332 = vector.broadcast %jit3A_331 : f32 to vector<1x2048xf32>
      %select_n3A_333 = arith.select %ge3A_330, %roll3A_327, %broadcast_in_dim3A_332 : vector<1x2048xi1>, vector<1x2048xf32>
      %add3A_334 = arith.addf %add3A_325, %select_n3A_333 : vector<1x2048xf32>
      %roll3A_335 = arith.constant 512 : i32
      %roll3A_336 = tpu.dynamic_rotate %add3A_334 by %roll3A_335 dim 1 : vector<1x2048xf32>, i32 -> vector<1x2048xf32>
      %ge3A_337 = arith.constant 512 : i32
      %ge3A_338 = vector.broadcast %ge3A_337 : i32 to vector<1x2048xi32>
      %ge3A_339 = arith.cmpi sge, %iota3A_255, %ge3A_338 : vector<1x2048xi32>
      %jit3A_340 = arith.constant 0.000000e+00 : f32
      %broadcast_in_dim3A_341 = vector.broadcast %jit3A_340 : f32 to vector<1x2048xf32>
      %select_n3A_342 = arith.select %ge3A_339, %roll3A_336, %broadcast_in_dim3A_341 : vector<1x2048xi1>, vector<1x2048xf32>
      %add3A_343 = arith.addf %add3A_334, %select_n3A_342 : vector<1x2048xf32>
      %roll3A_344 = arith.constant 1024 : i32
      %roll3A_345 = tpu.dynamic_rotate %add3A_343 by %roll3A_344 dim 1 : vector<1x2048xf32>, i32 -> vector<1x2048xf32>
      %ge3A_346 = arith.constant 1024 : i32
      %ge3A_347 = vector.broadcast %ge3A_346 : i32 to vector<1x2048xi32>
      %ge3A_348 = arith.cmpi sge, %iota3A_255, %ge3A_347 : vector<1x2048xi32>
      %jit3A_349 = arith.constant 0.000000e+00 : f32
      %broadcast_in_dim3A_350 = vector.broadcast %jit3A_349 : f32 to vector<1x2048xf32>
      %select_n3A_351 = arith.select %ge3A_348, %roll3A_345, %broadcast_in_dim3A_350 : vector<1x2048xi1>, vector<1x2048xf32>
      %add3A_352 = arith.addf %add3A_343, %select_n3A_351 : vector<1x2048xf32>
      %convert_element_type3A_353 = arith.sitofp %sub3A_252 : i32 to f32
      %le3A = vector.broadcast %convert_element_type3A_353 : f32 to vector<1x2048xf32>
      %le3A_354 = arith.cmpf ole, %add3A_352, %le3A : vector<1x2048xf32>
      %and3A = arith.andi %eq3A_244, %le3A_354 : vector<1x2048xi1>
      %or3A = arith.ori %gt3A_242, %and3A : vector<1x2048xi1>
      %convert_element_type3A_355 = arith.extui %or3A : vector<1x2048xi1> to vector<1x2048xi32>
      %convert_element_type3A_356 = arith.sitofp %convert_element_type3A_355 : vector<1x2048xi32> to vector<1x2048xf32>
      %iota3A_357 = tpu.iota {dimensions = array<i32: 1>} : vector<1x2048xi32>
      %roll3A_358 = arith.constant 1 : i32
      %roll3A_359 = tpu.dynamic_rotate %convert_element_type3A_356 by %roll3A_358 dim 1 : vector<1x2048xf32>, i32 -> vector<1x2048xf32>
      %ge3A_360 = arith.constant 1 : i32
      %ge3A_361 = vector.broadcast %ge3A_360 : i32 to vector<1x2048xi32>
      %ge3A_362 = arith.cmpi sge, %iota3A_357, %ge3A_361 : vector<1x2048xi32>
      %jit3A_363 = arith.constant 0.000000e+00 : f32
      %broadcast_in_dim3A_364 = vector.broadcast %jit3A_363 : f32 to vector<1x2048xf32>
      %select_n3A_365 = arith.select %ge3A_362, %roll3A_359, %broadcast_in_dim3A_364 : vector<1x2048xi1>, vector<1x2048xf32>
      %add3A_366 = arith.addf %convert_element_type3A_356, %select_n3A_365 : vector<1x2048xf32>
      %roll3A_367 = arith.constant 2 : i32
      %roll3A_368 = tpu.dynamic_rotate %add3A_366 by %roll3A_367 dim 1 : vector<1x2048xf32>, i32 -> vector<1x2048xf32>
      %ge3A_369 = arith.constant 2 : i32
      %ge3A_370 = vector.broadcast %ge3A_369 : i32 to vector<1x2048xi32>
      %ge3A_371 = arith.cmpi sge, %iota3A_357, %ge3A_370 : vector<1x2048xi32>
      %jit3A_372 = arith.constant 0.000000e+00 : f32
      %broadcast_in_dim3A_373 = vector.broadcast %jit3A_372 : f32 to vector<1x2048xf32>
      %select_n3A_374 = arith.select %ge3A_371, %roll3A_368, %broadcast_in_dim3A_373 : vector<1x2048xi1>, vector<1x2048xf32>
      %add3A_375 = arith.addf %add3A_366, %select_n3A_374 : vector<1x2048xf32>
      %roll3A_376 = arith.constant 4 : i32
      %roll3A_377 = tpu.dynamic_rotate %add3A_375 by %roll3A_376 dim 1 : vector<1x2048xf32>, i32 -> vector<1x2048xf32>
      %ge3A_378 = arith.constant 4 : i32
      %ge3A_379 = vector.broadcast %ge3A_378 : i32 to vector<1x2048xi32>
      %ge3A_380 = arith.cmpi sge, %iota3A_357, %ge3A_379 : vector<1x2048xi32>
      %jit3A_381 = arith.constant 0.000000e+00 : f32
      %broadcast_in_dim3A_382 = vector.broadcast %jit3A_381 : f32 to vector<1x2048xf32>
      %select_n3A_383 = arith.select %ge3A_380, %roll3A_377, %broadcast_in_dim3A_382 : vector<1x2048xi1>, vector<1x2048xf32>
      %add3A_384 = arith.addf %add3A_375, %select_n3A_383 : vector<1x2048xf32>
      %roll3A_385 = arith.constant 8 : i32
      %roll3A_386 = tpu.dynamic_rotate %add3A_384 by %roll3A_385 dim 1 : vector<1x2048xf32>, i32 -> vector<1x2048xf32>
      %ge3A_387 = arith.constant 8 : i32
      %ge3A_388 = vector.broadcast %ge3A_387 : i32 to vector<1x2048xi32>
      %ge3A_389 = arith.cmpi sge, %iota3A_357, %ge3A_388 : vector<1x2048xi32>
      %jit3A_390 = arith.constant 0.000000e+00 : f32
      %broadcast_in_dim3A_391 = vector.broadcast %jit3A_390 : f32 to vector<1x2048xf32>
      %select_n3A_392 = arith.select %ge3A_389, %roll3A_386, %broadcast_in_dim3A_391 : vector<1x2048xi1>, vector<1x2048xf32>
      %add3A_393 = arith.addf %add3A_384, %select_n3A_392 : vector<1x2048xf32>
      %roll3A_394 = arith.constant 16 : i32
      %roll3A_395 = tpu.dynamic_rotate %add3A_393 by %roll3A_394 dim 1 : vector<1x2048xf32>, i32 -> vector<1x2048xf32>
      %ge3A_396 = arith.constant 16 : i32
      %ge3A_397 = vector.broadcast %ge3A_396 : i32 to vector<1x2048xi32>
      %ge3A_398 = arith.cmpi sge, %iota3A_357, %ge3A_397 : vector<1x2048xi32>
      %jit3A_399 = arith.constant 0.000000e+00 : f32
      %broadcast_in_dim3A_400 = vector.broadcast %jit3A_399 : f32 to vector<1x2048xf32>
      %select_n3A_401 = arith.select %ge3A_398, %roll3A_395, %broadcast_in_dim3A_400 : vector<1x2048xi1>, vector<1x2048xf32>
      %add3A_402 = arith.addf %add3A_393, %select_n3A_401 : vector<1x2048xf32>
      %roll3A_403 = arith.constant 32 : i32
      %roll3A_404 = tpu.dynamic_rotate %add3A_402 by %roll3A_403 dim 1 : vector<1x2048xf32>, i32 -> vector<1x2048xf32>
      %ge3A_405 = arith.constant 32 : i32
      %ge3A_406 = vector.broadcast %ge3A_405 : i32 to vector<1x2048xi32>
      %ge3A_407 = arith.cmpi sge, %iota3A_357, %ge3A_406 : vector<1x2048xi32>
      %jit3A_408 = arith.constant 0.000000e+00 : f32
      %broadcast_in_dim3A_409 = vector.broadcast %jit3A_408 : f32 to vector<1x2048xf32>
      %select_n3A_410 = arith.select %ge3A_407, %roll3A_404, %broadcast_in_dim3A_409 : vector<1x2048xi1>, vector<1x2048xf32>
      %add3A_411 = arith.addf %add3A_402, %select_n3A_410 : vector<1x2048xf32>
      %roll3A_412 = arith.constant 64 : i32
      %roll3A_413 = tpu.dynamic_rotate %add3A_411 by %roll3A_412 dim 1 : vector<1x2048xf32>, i32 -> vector<1x2048xf32>
      %ge3A_414 = arith.constant 64 : i32
      %ge3A_415 = vector.broadcast %ge3A_414 : i32 to vector<1x2048xi32>
      %ge3A_416 = arith.cmpi sge, %iota3A_357, %ge3A_415 : vector<1x2048xi32>
      %jit3A_417 = arith.constant 0.000000e+00 : f32
      %broadcast_in_dim3A_418 = vector.broadcast %jit3A_417 : f32 to vector<1x2048xf32>
      %select_n3A_419 = arith.select %ge3A_416, %roll3A_413, %broadcast_in_dim3A_418 : vector<1x2048xi1>, vector<1x2048xf32>
      %add3A_420 = arith.addf %add3A_411, %select_n3A_419 : vector<1x2048xf32>
      %roll3A_421 = arith.constant 128 : i32
      %roll3A_422 = tpu.dynamic_rotate %add3A_420 by %roll3A_421 dim 1 : vector<1x2048xf32>, i32 -> vector<1x2048xf32>
      %ge3A_423 = arith.constant 128 : i32
      %ge3A_424 = vector.broadcast %ge3A_423 : i32 to vector<1x2048xi32>
      %ge3A_425 = arith.cmpi sge, %iota3A_357, %ge3A_424 : vector<1x2048xi32>
      %jit3A_426 = arith.constant 0.000000e+00 : f32
      %broadcast_in_dim3A_427 = vector.broadcast %jit3A_426 : f32 to vector<1x2048xf32>
      %select_n3A_428 = arith.select %ge3A_425, %roll3A_422, %broadcast_in_dim3A_427 : vector<1x2048xi1>, vector<1x2048xf32>
      %add3A_429 = arith.addf %add3A_420, %select_n3A_428 : vector<1x2048xf32>
      %roll3A_430 = arith.constant 256 : i32
      %roll3A_431 = tpu.dynamic_rotate %add3A_429 by %roll3A_430 dim 1 : vector<1x2048xf32>, i32 -> vector<1x2048xf32>
      %ge3A_432 = arith.constant 256 : i32
      %ge3A_433 = vector.broadcast %ge3A_432 : i32 to vector<1x2048xi32>
      %ge3A_434 = arith.cmpi sge, %iota3A_357, %ge3A_433 : vector<1x2048xi32>
      %jit3A_435 = arith.constant 0.000000e+00 : f32
      %broadcast_in_dim3A_436 = vector.broadcast %jit3A_435 : f32 to vector<1x2048xf32>
      %select_n3A_437 = arith.select %ge3A_434, %roll3A_431, %broadcast_in_dim3A_436 : vector<1x2048xi1>, vector<1x2048xf32>
      %add3A_438 = arith.addf %add3A_429, %select_n3A_437 : vector<1x2048xf32>
      %roll3A_439 = arith.constant 512 : i32
      %roll3A_440 = tpu.dynamic_rotate %add3A_438 by %roll3A_439 dim 1 : vector<1x2048xf32>, i32 -> vector<1x2048xf32>
      %ge3A_441 = arith.constant 512 : i32
      %ge3A_442 = vector.broadcast %ge3A_441 : i32 to vector<1x2048xi32>
      %ge3A_443 = arith.cmpi sge, %iota3A_357, %ge3A_442 : vector<1x2048xi32>
      %jit3A_444 = arith.constant 0.000000e+00 : f32
      %broadcast_in_dim3A_445 = vector.broadcast %jit3A_444 : f32 to vector<1x2048xf32>
      %select_n3A_446 = arith.select %ge3A_443, %roll3A_440, %broadcast_in_dim3A_445 : vector<1x2048xi1>, vector<1x2048xf32>
      %add3A_447 = arith.addf %add3A_438, %select_n3A_446 : vector<1x2048xf32>
      %roll3A_448 = arith.constant 1024 : i32
      %roll3A_449 = tpu.dynamic_rotate %add3A_447 by %roll3A_448 dim 1 : vector<1x2048xf32>, i32 -> vector<1x2048xf32>
      %ge3A_450 = arith.constant 1024 : i32
      %ge3A_451 = vector.broadcast %ge3A_450 : i32 to vector<1x2048xi32>
      %ge3A_452 = arith.cmpi sge, %iota3A_357, %ge3A_451 : vector<1x2048xi32>
      %jit3A_453 = arith.constant 0.000000e+00 : f32
      %broadcast_in_dim3A_454 = vector.broadcast %jit3A_453 : f32 to vector<1x2048xf32>
      %select_n3A_455 = arith.select %ge3A_452, %roll3A_449, %broadcast_in_dim3A_454 : vector<1x2048xi1>, vector<1x2048xf32>
      %add3A_456 = arith.addf %add3A_447, %select_n3A_455 : vector<1x2048xf32>
      %sub3A_457 = arith.constant 1.000000e+00 : f32
      %sub3A_458 = vector.broadcast %sub3A_457 : f32 to vector<1x2048xf32>
      %sub3A_459 = arith.subf %add3A_456, %sub3A_458 : vector<1x2048xf32>
      %convert_element_type3A_460 = arith.fptosi %sub3A_459 : vector<1x2048xf32> to vector<1x2048xi32>
      %iota3A_461 = tpu.iota {dimensions = array<i32: 0>} : vector<513x2048xi32>
      %sub3A_462 = arith.constant 1 : i32
      %sub3A_463 = vector.broadcast %sub3A_462 : i32 to vector<513x2048xi32>
      %sub3A_464 = arith.subi %iota3A_461, %sub3A_463 : vector<513x2048xi32>
      %eq3A_465 = vector.broadcast %convert_element_type3A_460 : vector<1x2048xi32> to vector<513x2048xi32>
      %eq3A_466 = arith.cmpi eq, %eq3A_465, %sub3A_464 : vector<513x2048xi32>
      %and3A_467 = vector.broadcast %or3A : vector<1x2048xi1> to vector<513x2048xi1>
      %and3A_468 = arith.andi %eq3A_466, %and3A_467 : vector<513x2048xi1>
      %jit3A_469 = arith.constant 1.000000e+00 : f32
      %jit3A_470 = arith.constant 0.000000e+00 : f32
      %broadcast_in_dim3A_471 = vector.broadcast %jit3A_469 : f32 to vector<513x2048xf32>
      %broadcast_in_dim3A_472 = vector.broadcast %jit3A_470 : f32 to vector<513x2048xf32>
      %select_n3A_473 = arith.select %and3A_468, %broadcast_in_dim3A_471, %broadcast_in_dim3A_472 : vector<513x2048xi1>, vector<513x2048xf32>
      %iota3A_474 = tpu.iota {dimensions = array<i32: 1>} : vector<513x2048xi32>
      %convert_element_type3A_475 = arith.sitofp %iota3A_474 : vector<513x2048xi32> to vector<513x2048xf32>
      %mul3A_476 = arith.mulf %select_n3A_473, %convert_element_type3A_475 : vector<513x2048xf32>
      %reduce_sum3A_477 = arith.constant dense<0.000000e+00> : vector<513xf32>
      %reduce_sum3A_478 = vector.multi_reduction <add>, %mul3A_476, %reduce_sum3A_477 [1] : vector<513x2048xf32> to vector<513xf32>
      %broadcast_in_dim3A_479 = vector.shape_cast %reduce_sum3A_478 : vector<513xf32> to vector<513x1xf32>
      %convert_element_type3A_480 = arith.fptosi %broadcast_in_dim3A_479 : vector<513x1xf32> to vector<513x1xi32>
      %reshape3A = vector.shape_cast %convert_element_type3A_480 : vector<513x1xi32> to vector<1x513xi32>
      %swap3A_481 = arith.constant 0 : index
      %swap3A_482 = arith.constant 0 : index
      %swap3A_483 = vector.load %arg4[%swap3A_481, %swap3A_482] : memref<1x513xi32, #tpu.memory_space<vmem>>, vector<1x513xi32>
      tpu.vector_store %arg4[%swap3A_481, %swap3A_482], %reshape3A {strides = array<i32>} : memref<1x513xi32, #tpu.memory_space<vmem>>, vector<1x513xi32>,
      %get3A_484 = arith.constant 0 : index
      %get3A_485 = arith.constant 0 : index
      %get3A_486 = vector.load %arg3[%get3A_484, %get3A_485] : memref<1x2048xf32, #tpu.memory_space<vmem>>, vector<1x2048xf32>
      %mul3A_487 = vector.broadcast %get3A_486 : vector<1x2048xf32> to vector<513x2048xf32>
      %mul3A_488 = arith.mulf %select_n3A_473, %mul3A_487 : vector<513x2048xf32>
      %reduce_sum3A_489 = arith.constant dense<0.000000e+00> : vector<513xf32>
      %reduce_sum3A_490 = vector.multi_reduction <add>, %mul3A_488, %reduce_sum3A_489 [1] : vector<513x2048xf32> to vector<513xf32>
      %broadcast_in_dim3A_491 = vector.shape_cast %reduce_sum3A_490 : vector<513xf32> to vector<513x1xf32>
      %reshape3A_492 = vector.shape_cast %broadcast_in_dim3A_491 : vector<513x1xf32> to vector<1x513xf32>
      %swap3A_493 = arith.constant 0 : index
      %swap3A_494 = arith.constant 0 : index
      %swap3A_495 = vector.load %arg5[%swap3A_493, %swap3A_494] : memref<1x513xf32, #tpu.memory_space<vmem>>, vector<1x513xf32>
      tpu.vector_store %arg5[%swap3A_493, %swap3A_494], %reshape3A_492 {strides = array<i32>} : memref<1x513xf32, #tpu.memory_space<vmem>>, vector<1x513xf32>,
    } else {
    }
    return
  }
  func.func @transform_0(%arg0: i32, %arg1: i32) -> (i32, i32, i32) {
    %c0_i32 = arith.constant 0 : i32
    %c0_i32_0 = arith.constant 0 : i32
    return %arg0, %arg1, %c0_i32 : i32, i32, i32
  }
  func.func @transform_1(%arg0: i32, %arg1: i32) -> (i32, i32) {
    %c0_i32 = arith.constant 0 : i32
    %c0_i32_0 = arith.constant 0 : i32
    %c0_i32_1 = arith.constant 0 : i32
    return %c0_i32, %c0_i32_0 : i32, i32
  }
  func.func @transform_2(%arg0: i32, %arg1: i32) -> (i32, i32) {
    %c0_i32 = arith.constant 0 : i32
    %c0_i32_0 = arith.constant 0 : i32
    %c0_i32_1 = arith.constant 0 : i32
    return %c0_i32, %c0_i32_0 : i32, i32
  }
  func.func @transform_3(%arg0: i32, %arg1: i32) -> (i32, i32) {
    %c0_i32 = arith.constant 0 : i32
    %c0_i32_0 = arith.constant 0 : i32
    %c0_i32_1 = arith.constant 0 : i32
    return %c0_i32, %c0_i32_0 : i32, i32
  }
}

</mosaic_0001>

<sc_bundles>
// kernel: kernel.4.cloned.1.call-start
scs
__scs_entry_jumppad:
0x0: {  	(pc) =	sbr.rel $0x88, $3  }
0x1: {  	(tag) =	ssettag $0x0;
	lr =	simm.s32 $0x1  }
0x2: {  	[smem:$0x3F9E] =	sst lr;
	_ =	strace $0xD0000000  }
0x3: {  	_ = 	snop  }
0x4: {  	_ = 	snop  }
0x5: {  	_ = 	snop  }
0x6: {  	_ = 	snop  }
0x7: {  	_ = 	snop  }
__scs_overlays_trampoline_lowered:
0x8: {  	[smem:$0x3FAD] =	sst s0  }
0x9: {  	[smem:$0x3FAE] =	sst s1  }
0xa: {  	[smem:$0x3FAF] =	sst s2  }
0xb: {  	[smem:$0x3FB0] =	sst s3  }
0xc: {  	[smem:$0x3FB1] =	sst s4  }
0xd: {  	[smem:$0x3FB2] =	sst s5  }
0xe: {  	[smem:$0x3FB3] =	sst s6  }
0xf: {  	[smem:$0x3FB4] =	sst s7  }
0x10: {  	[smem:$0x3FB5] =	sst s8  }
0x11: {  	[smem:$0x3FB6] =	sst s9;
	s0 =	simm.s32 @!p0 $0x0  }
0x12: {  	s1 =	sld [smem:$0x3F9C];
	s0 =	simm.s32 @p0 $0x1  }
0x13: {  	[smem:$0x3FB7] =	sst s0;
	s0 =	simm.s32 @!p1 $0x0  }
0x14: {  	s2 =	sld [smem:$0x3F9B];
	s0 =	simm.s32 @p1 $0x1  }
0x15: {  	[smem:$0x3FB8] =	sst s0;
	s0 =	simm.s32 @!p2 $0x0  }
0x16: {  	s3 =	sld [smem:$0x3FDB];
	s0 =	simm.s32 @p2 $0x1  }
0x17: {  	s4 =	simm.s32 $0x1BF5;
	[smem:$0x3FBA] =	sst s0  }
0x18: {  	s0 =	sld [smem:$0x3F9D];
	_ =	swait.ge [sflag:s4], $0x0  }
0x19: {  	s7 =	sld [smem:$0x3F9E]  }
0x1a: {  	s8 =	sadd.s32 $0xFFFFE003, lr  }
0x1b: {  	s9 =	sadd.s32 $0xFFFFFEF7, lr;
	s5 =	simm.s32 $0xFFFFFFFF;
	p2 =	slt.u32 s8, $0xFFFFF086  }
0x1c: {  	p1 =	slt.u32 s9, $0xF7A;
	s5 =	simm.s32 @!p2 $0x0  }
0x1d: {  	s5 =	simm.s32 @p1 $0x1;
	p0 =	seq.s32 s7, s2  }
0x1e: {  	s7 =	smul.u32 @!p0 $0xF7A, s2;
	p2 =	seq.s32 @!p0 s5, $0x0  }
0x1f: {  	s9 =	smul.u32 $0xF7A, s1;
	s8 =	simm.s32 @!p0 $0x1BF5;
	p2 =	por !p2, p0  }
0x20: {  	[sflag:s8] =	ssyncset.s32 @!p0 $0xFFFFF086;
	s6 =	sadd.s32 @!p0 s3, s7;
	s7 =	simm.s32 @!p0 $0x108  }
0x21: {  	s3 =	sadd.s32 s3, s9;
	s6 =	sadd.s32 @!p0 $0x88, s6;
	s7 =	simm.s32 @p2 $0x1082  }
0x22: {  	[simem:s7], [sflag:s8] =	dma.local @!p0 [hbm:s6], $0xF7A  }
0x23: {  	s9 =	sor.u32 $0xD0000000, s2;
	s6 =	simm.s32 $0x108;
	_ =	swait.ge @!p0 [sflag:s8], $0x0  }
0x24: {  	s3 =	sadd.s32 $0x88, s3;
	s6 =	simm.s32 @!p1 $0x1082;
	[sflag:s4] =	ssyncset.s32 $0xFFFFF086  }
0x25: {  	[simem:s6], [sflag:s4] =	dma.local [hbm:s3], $0xF7A  }
0x26: {  	[smem:$0x3F9E] =	sst s1;
	(tag) =	ssettag s2;
	_ =	strace s9  }
0x27: {  	s1 =	sld [smem:$0x3FAE]  }
0x28: {  	s2 =	sld [smem:$0x3FAF]  }
0x29: {  	s4 =	sld [smem:$0x3FB1]  }
0x2a: {  	p0 =	seq.s32 s5, $0x0;
	s5 =	sld [smem:$0x3FB2]  }
0x2b: {  	s6 =	sld [smem:$0x3FB3]  }
0x2c: {  	s7 =	sld [smem:$0x3FB4]  }
0x2d: {  	s3 =	simm.s32 $0x108;
	s8 =	sld [smem:$0x3FB5]  }
0x2e: {  	s3 =	simm.s32 @!p0 $0x1082;
	s9 =	sld [smem:$0x3FB6]  }
0x2f: {  	lr =	sadd.s32 s0, s3;
	s0 =	sld [smem:$0x3FAD]  }
0x30: {  	s3 =	sld [smem:$0x3FB0]  }
0x31: {  	[smem:$0x3FB9] =	sst s10  }
0x32: {  	s10 =	sld [smem:$0x3FB7];
	_ =	sdelay $0x3  }
0x33: {  	p0 =	seq.s32 s10, $0x1;
	s10 =	sld [smem:$0x3FB9];
	_ =	sdelay $0x3  }
0x34: {  	[smem:$0x3FB9] =	sst s10  }
0x35: {  	s10 =	sld [smem:$0x3FB8];
	_ =	sdelay $0x3  }
0x36: {  	p1 =	seq.s32 s10, $0x1;
	s10 =	sld [smem:$0x3FB9];
	_ =	sdelay $0x3  }
0x37: {  	[smem:$0x3FB9] =	sst s10  }
0x38: {  	s10 =	sld [smem:$0x3FBA]  }
0x39: {  	_ = 	snop;
	(pc) =	sbr.ind lr, $3  }
0x3a: {  	_ = 	snop  }
0x3b: {  	_ = 	snop  }
0x3c: {  	p2 =	seq.s32 s10, $0x1;
	s10 =	sld [smem:$0x3FB9]  }
0x3d: {  	_ =	shalt  }
0x3e: {  	_ =	shalt  }
0x3f: {  	_ =	shalt  }
0x40: {  	_ =	shalt  }
0x41: {  	_ =	shalt  }
0x42: {  	_ =	shalt  }
0x43: {  	_ =	shalt  }
0x44: {  	_ =	shalt  }
0x45: {  	_ =	shalt  }
0x46: {  	_ =	shalt  }
0x47: {  	_ =	shalt  }
0x48: {  	_ =	shalt  }
0x49: {  	_ =	shalt  }
0x4a: {  	_ =	shalt  }
0x4b: {  	_ =	shalt  }
0x4c: {  	_ =	shalt  }
0x4d: {  	_ =	shalt  }
0x4e: {  	_ =	shalt  }
0x4f: {  	_ =	shalt  }
0x50: {  	_ =	shalt  }
0x51: {  	_ =	shalt  }
0x52: {  	_ =	shalt  }
0x53: {  	_ =	shalt  }
0x54: {  	_ =	shalt  }
0x55: {  	_ =	shalt  }
0x56: {  	_ =	shalt  }
0x57: {  	_ =	shalt  }
0x58: {  	_ =	shalt  }
0x59: {  	_ =	shalt  }
0x5a: {  	_ =	shalt  }
0x5b: {  	_ =	shalt  }
0x5c: {  	_ =	shalt  }
0x5d: {  	_ =	shalt  }
0x5e: {  	_ =	shalt  }
0x5f: {  	_ =	shalt  }
0x60: {  	_ =	shalt  }
0x61: {  	_ =	shalt  }
0x62: {  	_ =	shalt  }
0x63: {  	_ =	shalt  }
0x64: {  	_ =	shalt  }
0x65: {  	_ =	shalt  }
0x66: {  	_ =	shalt  }
0x67: {  	_ =	shalt  }
0x68: {  	_ =	shalt  }
0x69: {  	_ =	shalt  }
0x6a: {  	_ =	shalt  }
0x6b: {  	_ =	shalt  }
0x6c: {  	_ =	shalt  }
0x6d: {  	_ =	shalt  }
0x6e: {  	_ =	shalt  }
0x6f: {  	_ =	shalt  }
0x70: {  	_ =	shalt  }
0x71: {  	_ =	shalt  }
0x72: {  	_ =	shalt  }
0x73: {  	_ =	shalt  }
0x74: {  	_ =	shalt  }
0x75: {  	_ =	shalt  }
0x76: {  	_ =	shalt  }
0x77: {  	_ =	shalt  }
0x78: {  	_ =	shalt  }
0x79: {  	_ =	shalt  }
0x7a: {  	_ =	shalt  }
0x7b: {  	_ =	shalt  }
0x7c: {  	_ =	shalt  }
0x7d: {  	_ =	shalt  }
0x7e: {  	_ =	shalt  }
0x7f: {  	_ =	shalt  }
0x80: {  	_ =	shalt  }
0x81: {  	_ =	shalt  }
0x82: {  	_ =	shalt  }
0x83: {  	_ =	shalt  }
0x84: {  	_ =	shalt  }
0x85: {  	_ =	shalt  }
0x86: {  	_ =	shalt  }
0x87: {  	_ =	shalt  }
.Lfunc_end0:
.L_simem_size_0:
called_computation_lowered:
.L_overlay_start_0:
0x88: {  	s2 =	sld [smem:$0x3FD9]  }
0x89: {  	s3 =	sld [smem:$0x3FFE];
	_ =	sdelay $0x1  }
0x8a: {  	s1 =	srdreg.scid  }
0x8b: {  	s0 =	sand.u32 $0x1, s1  }
0x8c: {  	s14 =	sshll.u32 s0, $0xA;
	s2 =	sadd.s32 s3, s2  }
0x8d: {  	s2 =	sadd.s32 s2, s14  }
0x8e: {  	[smem:$0x3FC5] =	sst s2  }
0x8f: {  	_ = 	snop  }
0x90: {  	s2 =	sld [smem:$0x3FD0];
	_ =	sdelay $0x2  }
0x91: {  	s4 =	simm.s32 $0xA;
	s5 =	simm.s32 $0x10;
	s15 =	sld [smem:$0x3FC9]  }
0x92: {  	[smem:s5], [sflag:s4] =	dma.local [hbm:s2], $0x1  }
0x93: {  	_ =	swait.eq [sflag:s4], $0x1  }
0x94: {  	[sflag:s4] =	ssyncset.done $0x0  }
0x95: {  	[sflag:s4] =	ssyncadd.s32 $0xFFFFFFFF  }
0x96: {  	s16 =	sld [smem:$0x10];
	(tm) =	ssettm $0x1  }
0x97: {  	s17 =	sld [smem:$0x3FFB];
	_ =	sdelay $0x3  }
0x98: {  	_ =	strace s17  }
0x99: {  	s4 =	sld [smem:$0x3FFC];
	_ =	sdelay $0x3  }
0x9a: {  	_ =	strace s4  }
0x9b: {  	s4 =	sld [smem:$0x3FFD];
	_ =	sdelay $0x3  }
0x9c: {  	_ =	strace s4  }
0x9d: {  	_ =	strace $0x8FFFFFFF  }
0x9e: {  	s18 =	sld [smem:$0x3FDB];
	_ =	sdelay $0x1  }
0x9f: {  	s19 =	simm.s32 $_scs_section_size  }
0xa0: {  	s6 =	simm.s32 $_size__tile_overlayer_lowered;
	s7 =	simm.s32 $_tile_overlayer_lowered  }
0xa1: {  	s22 =	simm.s32 $0x1BFF;
	s21 =	sshll.u32 s7, $0x1;
	s4 =	sadd.s32 s19, s18  }
0xa2: {  	s8 =	simm.s32 $0x0;
	s20 =	sshll.u32 s6, $0x1;
	s6 =	sadd.s32 s21, s4  }
0xa3: {  	[timem:s8], [sflag:s22] =	dma.local [hbm:s6], s20  }
0xa4: {  	_ =	swait.ge [sflag:s22], s20  }
0xa5: {  	s5 =	ssub.s32 $0x0, s20;
	[sflag:s22] =	ssyncset.done $0x0  }
0xa6: {  	[sflag:s22] =	ssyncadd.s32 s5;
	_ =	sdelay $0x1  }
0xa7: {  	s23 =	simm.s32 $0x1B8B  }
0xa8: {  	_ =	swait.ge [sflag:s23], $0x1  }
0xa9: {  	[sflag:s23] =	ssyncset.done $0x0  }
0xaa: {  	s25 =	simm.s32 $0x1B8E;
	s24 =	sld [smem:$0x3FFE];
	[sflag:s23] =	ssyncadd.s32 $0xFFFFFFFF  }
0xab: {  	s26 =	simm.s32 $execute0_lowered;
	[smem:$0x3FD2] =	sst s25  }
0xac: {  	s6 =	sshll.u32 s26, $0x1;
	_ =	strace $0x80000046;
	[dreg:$0x1] =	wrdreg $0xFFFFFFFF  }
0xad: {  	s28 =	simm.s32 $_size_execute0_lowered;
	s4 =	sadd.s32 s4, s6;
	[dreg:$0x0] =	wrdreg $0x0  }
0xae: {  	s6 =	sshll.u32 s28, $0x1;
	[dreg:$0x2] =	wrdreg s4  }
0xaf: {  	[dreg:$0x3] =	wrdreg s6  }
0xb0: {  	[dreg:$0x4] =	wrdreg $0xC0  }
0xb1: {  	_ =	task [dreg:s8], $0x5FFFF  }
0xb2: {  	[dreg:$0x1] =	wrdreg $0xFFFFFFFF  }
0xb3: {  	[dreg:$0x0] =	wrdreg $0x60  }
0xb4: {  	[dreg:$0x2] =	wrdreg s15  }
0xb5: {  	[dreg:$0x3] =	wrdreg s16  }
0xb6: {  	[dreg:$0x4] =	wrdreg s24  }
0xb7: {  	[dreg:$0x5] =	wrdreg $0x9  }
0xb8: {  	_ =	task.clear_ibuf [dreg:s8], $0x6FFFF;
	_ =	strace $0x90000046  }
0xb9: {  	s29 =	simm.s32 $0x9;
	_ =	strace $0x80000048  }
0xba: {  	_ =	swait.ge [sflag:s29], $0x1  }
0xbb: {  	[sflag:s29] =	ssyncadd.s32 $0xFFFFFFFF  }
0xbc: {  	_ =	strace $0x90000048  }
0xbd: {  	_ =	sfence  }
0xbe: {  	s30 =	sld [smem:$0x0];
	_ =	sdelay $0x2  }
0xbf: {  	s31 =	sshll.u32 s1, $0xD;
	s1 =	sshrl.u32 s1, $0x2  }
0xc0: {  	s3 =	sand.u32 $0x4000, s31;
	s1 =	sadd.s32 s1, s30  }
0xc1: {  	s0 =	sor.u32 s3, s0;
	s1 =	sshll.u32 s1, $0x11  }
0xc2: {  	s0 =	sor.u32 s1, s0  }
0xc3: {  	s0 =	sadd.s32 $0x8F2B, s0  }
0xc4: {  	[sflag:s0] =	ssyncadd.remote.s32 $0x1  }
0xc5: {  	_ =	sfence.sel $0xFFFF  }
0xc6: {  	[dreg:$0x0] =	wrdreg $0xFFFFFFFF;
	(pc) =	sbr.abs _section_cstart, $3  }
0xc7: {  	[dreg:$0x1] =	wrdreg $0xFFFFFFFF  }
0xc8: {  	_ =	task.clear_ibuf [dreg:s8], $0x2FFFF;
	_ =	strace $0x9FFFFFFF  }
0xc9: {  	(tm) =	ssettm $0x7FFFFFFF  }
tec
execute0_lowered:
.L_overlay_start_1:
0x0: {  	(tag) =	ssettag $0x1  }
0x1: {  	s1 =	rddreg [dreg:$0x0]  }
0x2: {  	s5 =	rddreg [dreg:$0x1]  }
0x3: {  	s6 =	rddreg [dreg:$0x2]  }
0x4: {  	s0 =	rddreg [dreg:$0x3];
	s4 =	srdreg.scid  }
0x5: {  	s2 =	stileid.u32;
	s3 =	simm.s32 $0x0;
	s28 =	simm.s32 $0x880  }
0x6: {  	s29 =	simm.s32 $0x1080;
	s10 =	simm.s32 $0x1880;
	s13 =	simm.s32 $0x2080  }
0x7: {  	s30 =	simm.s32 $0x2880;
	s31 =	simm.s32 $0x3080;
	s14 =	simm.s32 $0x3880  }
0x8: {  	s15 =	simm.s32 $0x4880;
	[smem:$0x7FF] =	sst s3;
	s25 =	sadd.s32 $0x40, s5  }
0x9: {  	s26 =	sadd.s32 $0x20400, s6;
	_ =	strace $0x80000047;
	[dreg:$0x7] =	wrdreg s25  }
0xa: {  	s16 =	simm.s32 $0x5080;
	s17 =	simm.s32 $0x5880;
	[dreg:$0x8] =	wrdreg s26  }
0xb: {  	s18 =	simm.s32 $0x6080;
	s19 =	simm.s32 $0x6880;
	[dreg:$0x9] =	wrdreg s28  }
0xc: {  	s20 =	simm.s32 $0x7080;
	s21 =	simm.s32 $0x7880;
	[dreg:$0xa] =	wrdreg s29  }
0xd: {  	s22 =	simm.s32 $0x1;
	s23 =	simm.s32 $0x2;
	[dreg:$0xb] =	wrdreg s10  }
0xe: {  	s4 =	sand.u32 $0x1, s4;
	s7 =	sshll.u32 s2, $0x1;
	[dreg:$0xc] =	wrdreg s13  }
0xf: {  	s12 =	sor.u32 s4, s7;
	s4 =	ssub.s32 $0x2, s4;
	[dreg:$0xd] =	wrdreg s30  }
0x10: {  	s10 =	sadd.s32 $0x700, s1;
	[dreg:$0xe] =	wrdreg s31;
	s13 =	simm.s32 $0x80  }
0x11: {  	[dreg:$0xf] =	wrdreg s14;
	s14 =	simm.s32 $0x4080;
	s25 =	simm.s32 $0x4  }
0x12: {  	s7 =	sshll.u32 s12, $0xC;
	s8 =	sshll.u32 s12, $0x1;
	s9 =	sshrl.u32 s4, $0x1  }
0x13: {  	p0 =	sne.s32 s12, $0x1F;
	s12 =	simm.s32 $0x5;
	s7 =	sadd.s32 s7, s6  }
0x14: {  	s8 =	sadd.s32 s5, s8;
	s11 =	ssub.s32 s4, s9;
	s4 =	sadd.s32 $0x100, s1  }
0x15: {  	s5 =	sadd.s32 $0x200, s1;
	s6 =	sadd.s32 $0x300, s1;
	s9 =	sadd.s32 $0x600, s1  }
0x16: {  	v1 =	vlaneseq.u32;
	[dreg:$0x4] =	wrdreg s8;
	s24 =	sadd.s32 $0x400, s7;
	s7 =	sadd.s32 $0xC00, s7  }
0x17: {  	v0 =	vand.u32 $0x7, v1;
	v1 =	vshrl.u32 v1, $0x3;
	s8 =	sadd.s32 $0x500, s1;
	s11 =	smax.u32 s11, $0x1;
	[dreg:$0x5] =	wrdreg s24  }
0x18: {  	vm0 =	vmmov $0xffff;
	v1 =	vmul.u32 $0x8, v1;
	vm1 =	vmmov @!p0 $0xffff;
	[dreg:$0x6] =	wrdreg s7;
	s7 =	sadd.s32 $0x400, s1;
	s24 =	simm.s32 $0x3  }
.LBB2_1:
0x19: {  	s26 =	rddreg [dreg:$0x4]  }
0x1a: {  	[tilespmem:s3], [sflag:$0x5] =	stream.linear.gather [hbm4b:s26+s3], $0x10, $0x38;
	[tilespmem:$0x8900] =	vst v63  }
0x1b: {  	_ =	swait.ge [sflag:s12], $0x10  }
0x1c: {  	[sflag:s12] =	ssyncset.done $0x0  }
0x1d: {  	[sflag:s12] =	ssyncadd.s32 $0xFFFFFFF0  }
0x1e: {  	v2 =	vld.msk [tilespmem:$0x0], $0xff;
	_ =	sdelay $0x4  }
0x1f: {  	v3 =	vshll.u32 v2, $0x4  }
0x20: {  	v2 =	vand.u32 $0x7, v2;
	v3 =	vand.u32 $0xFFFFFF80, v3  }
0x21: {  	v2 =	vor.u32 v2, v3  }
0x22: {  	v2 =	vperm.xlane v2, v0;
	_ =	sdelay $0x1  }
0x23: {  	v2 =	vadd.s32 v1, v2;
	_ =	sdelay $0x4  }
0x24: {  	[tilespmem:s13], [sflag:$0x1] =	stream.indirect_vreg.gather [hbm4b:s1+s3], $0x80, v2, vm0, $0xb8;
	[tilespmem:$0x8900] =	vst v63  }
0x25: {  	s30 =	rddreg [dreg:$0x9]  }
0x26: {  	[tilespmem:s30], [sflag:$0x1] =	stream.indirect_vreg.gather [hbm4b:s4+s3], $0x80, v2, vm0, $0xb8;
	[tilespmem:$0x8900] =	vst v63  }
0x27: {  	s28 =	rddreg [dreg:$0xa]  }
0x28: {  	[tilespmem:s28], [sflag:$0x1] =	stream.indirect_vreg.gather [hbm4b:s5+s3], $0x80, v2, vm0, $0xb8;
	[tilespmem:$0x8900] =	vst v63  }
0x29: {  	s31 =	rddreg [dreg:$0xb]  }
0x2a: {  	[tilespmem:s31], [sflag:$0x1] =	stream.indirect_vreg.gather [hbm4b:s6+s3], $0x80, v2, vm0, $0xb8;
	[tilespmem:$0x8900] =	vst v63  }
0x2b: {  	s29 =	rddreg [dreg:$0xc]  }
0x2c: {  	[tilespmem:s29], [sflag:$0x1] =	stream.indirect_vreg.gather [hbm4b:s7+s3], $0x80, v2, vm0, $0xb8;
	[tilespmem:$0x8900] =	vst v63  }
0x2d: {  	s30 =	rddreg [dreg:$0xd]  }
0x2e: {  	[tilespmem:s30], [sflag:$0x1] =	stream.indirect_vreg.gather [hbm4b:s8+s3], $0x80, v2, vm0, $0xb8;
	[tilespmem:$0x8900] =	vst v63  }
0x2f: {  	s31 =	rddreg [dreg:$0xe]  }
0x30: {  	[tilespmem:s31], [sflag:$0x1] =	stream.indirect_vreg.gather [hbm4b:s9+s3], $0x80, v2, vm0, $0xb8;
	[tilespmem:$0x8900] =	vst v63  }
0x31: {  	s29 =	rddreg [dreg:$0xf]  }
0x32: {  	[tilespmem:s29], [sflag:$0x1] =	stream.indirect_vreg.gather [hbm4b:s10+s3], $0x80, v2, vm0, $0xb8;
	[tilespmem:$0x8900] =	vst v63  }
0x33: {  	v2 =	vld.msk [tilespmem:$0x8], $0xff;
	_ =	sdelay $0x4  }
0x34: {  	v3 =	vshll.u32 v2, $0x4  }
0x35: {  	v2 =	vand.u32 $0x7, v2;
	v3 =	vand.u32 $0xFFFFFF80, v3  }
0x36: {  	v2 =	vor.u32 v2, v3  }
0x37: {  	v2 =	vperm.xlane v2, v0;
	_ =	sdelay $0x1  }
0x38: {  	v2 =	vadd.s32 v1, v2;
	_ =	sdelay $0x4  }
0x39: {  	[tilespmem:s14], [sflag:$0x2] =	stream.indirect_vreg.gather [hbm4b:s1+s3], $0x80, v2, vm0, $0xb8;
	[tilespmem:$0x8900] =	vst v63  }
0x3a: {  	_ = 	snop  }
0x3b: {  	[tilespmem:s15], [sflag:$0x2] =	stream.indirect_vreg.gather [hbm4b:s4+s3], $0x80, v2, vm0, $0xb8;
	[tilespmem:$0x8900] =	vst v63  }
0x3c: {  	_ = 	snop  }
0x3d: {  	[tilespmem:s16], [sflag:$0x2] =	stream.indirect_vreg.gather [hbm4b:s5+s3], $0x80, v2, vm0, $0xb8;
	[tilespmem:$0x8900] =	vst v63  }
0x3e: {  	_ = 	snop  }
0x3f: {  	[tilespmem:s17], [sflag:$0x2] =	stream.indirect_vreg.gather [hbm4b:s6+s3], $0x80, v2, vm0, $0xb8;
	[tilespmem:$0x8900] =	vst v63  }
0x40: {  	_ = 	snop  }
0x41: {  	[tilespmem:s18], [sflag:$0x2] =	stream.indirect_vreg.gather [hbm4b:s7+s3], $0x80, v2, vm0, $0xb8;
	[tilespmem:$0x8900] =	vst v63  }
0x42: {  	_ = 	snop  }
0x43: {  	[tilespmem:s19], [sflag:$0x2] =	stream.indirect_vreg.gather [hbm4b:s8+s3], $0x80, v2, vm0, $0xb8;
	[tilespmem:$0x8900] =	vst v63  }
0x44: {  	_ = 	snop  }
0x45: {  	[tilespmem:s20], [sflag:$0x2] =	stream.indirect_vreg.gather [hbm4b:s9+s3], $0x80, v2, vm0, $0xb8;
	[tilespmem:$0x8900] =	vst v63  }
0x46: {  	_ = 	snop  }
0x47: {  	[tilespmem:s21], [sflag:$0x2] =	stream.indirect_vreg.gather [hbm4b:s10+s3], $0x80, v2, vm0, $0xb8;
	[tilespmem:$0x8900] =	vst v63  }
0x48: {  	_ =	swait.ge [sflag:s22], $0x4000  }
0x49: {  	[sflag:s22] =	ssyncset.done $0x0  }
0x4a: {  	s30 =	rddreg [dreg:$0x5];
	[sflag:s22] =	ssyncadd.s32 $0xFFFFC000  }
0x4b: {  	[hbm4b:s30+s3] =	stream.linear.scatter [tilespmem:s13], [sflag:$0x3], $0x4000, $0x38;
	[tilespmem:$0x8900] =	vst v63  }
0x4c: {  	_ =	swait.ge [sflag:s23], $0x4000  }
0x4d: {  	[sflag:s23] =	ssyncset.done $0x0  }
0x4e: {  	s31 =	rddreg [dreg:$0x6];
	[sflag:s23] =	ssyncadd.s32 $0xFFFFC000  }
0x4f: {  	[hbm4b:s31+s3] =	stream.linear.scatter [tilespmem:s14], [sflag:$0x4], $0x4000, $0x38;
	[tilespmem:$0x8900] =	vst v63  }
0x50: {  	s26 =	simm.s32 @!p0 $0x0;
	s29 =	simm.s32 @!p0 $0x8080;
	s28 =	rddreg [dreg:$0x7]  }
0x51: {  	[tilespmem:s29], [sflag:$0x5] =	stream.linear.gather @!p0 [hbm4b:s28+s26], $0x1, $0x38;
	[tilespmem:$0x8900] =	vst v63  }
0x52: {  	s28 =	simm.s32 @!p0 $0x5  }
0x53: {  	_ =	swait.ge @!p0 [sflag:s28], $0x1  }
0x54: {  	[sflag:s28] =	ssyncset.done @!p0 $0x0  }
0x55: {  	[sflag:s28] =	ssyncadd.s32 @!p0 $0xFFFFFFFF  }
0x56: {  	v2 =	vld.msk @!p0 [tilespmem:$0x8080], $0x1;
	_ =	sdelay $0x4  }
0x57: {  	v3 =	vshll.u32 @!p0 v2, $0x4  }
0x58: {  	v2 =	vand.u32 @!p0 $0x7, v2;
	v3 =	vand.u32 @!p0 $0xFFFFFF80, v3  }
0x59: {  	v4 =	vlaneseq.u32 @!p0;
	v2 =	vor.u32 @!p0 v2, v3;
	v3 =	vimm.s32 @!p0 $0x0  }
0x5a: {  	v2 =	vperm.xlane @!p0 v2, v3;
	v3 =	vmul.u32 @!p0 $0x8, v4;
	_ =	sdelay $0x1  }
0x5b: {  	v2 =	vadd.s32 @!p0 v3, v2;
	_ =	sdelay $0x3  }
0x5c: {  	s29 =	simm.s32 @!p0 $0x8100  }
0x5d: {  	[tilespmem:s29], [sflag:$0x1] =	stream.indirect_vreg.gather @!p0 [hbm4b:s1+s26], $0x80, v2, vm1, $0xb8;
	[tilespmem:$0x8900] =	vst v63  }
0x5e: {  	s26 =	simm.s32 @!p0 $0x1  }
0x5f: {  	_ =	swait.ge @!p0 [sflag:s26], $0x800  }
0x60: {  	s31 =	simm.s32 @!p0 $0x400;
	[sflag:s26] =	ssyncset.done @!p0 $0x0  }
0x61: {  	s30 =	rddreg [dreg:$0x8];
	[sflag:s26] =	ssyncadd.s32 @!p0 $0xFFFFF800;
	s26 =	simm.s32 @!p0 $0x80  }
0x62: {  	[hbm4b:s30+s26] =	stream.strided.scatter @!p0 [tilespmem:s29], [sflag:$0x5], $0x800, s31, s26, $0x38;
	[tilespmem:$0x8900] =	vst v63  }
0x63: {  	_ =	swait.ge @!p0 [sflag:s28], $0x800  }
0x64: {  	[sflag:s28] =	ssyncset.done @!p0 $0x0  }
0x65: {  	s11 =	sadd.s32 $0xFFFFFFFF, s11;
	[sflag:s28] =	ssyncadd.s32 @!p0 $0xFFFFF800  }
0x66: {  	p1 =	sne.s32 s11, $0x0;
	_ =	swait.ge [sflag:s24], $0x4000  }
.Ltmp0:
0x67: {  	[sflag:s24] =	ssyncset.done $0x0;
	(pc) =	sbr.rel @p1 .LBB2_1-.Ltmp0, $4  }
0x68: {  	[sflag:s24] =	ssyncadd.s32 $0xFFFFC000  }
0x69: {  	_ =	swait.ge [sflag:s25], $0x4000  }
0x6a: {  	[sflag:s25] =	ssyncset.done $0x0  }
0x6b: {  	[sflag:s25] =	ssyncadd.s32 $0xFFFFC000  }
0x6c: {  	_ =	sfence.sel $0x180000  }
0x6d: {  	[bflag:$0x0] =	sbarrier.arrive $0xFFFF  }
0x6e: {  	p0 =	sne.s32 s2, $0x0;
	_ =	strace $0x90000047  }
0x6f: {  	s0 =	sadd.s32 @!p0 $0x100000, s0;
	[bflag:$0x2] =	sbarrier.arrive $0xFFFF  }
0x70: {  	[sflag:s0] =	ssyncadd.tile.s32 @!p0 $0x1;
	_ =	shalt  }
.Lfunc_end2:
_tile_overlayer_lowered:
.L_overlay_start_2:
0x71: {  	(tag) =	ssettag $0x2  }
0x72: {  	s0 =	rddreg [dreg:$0x0];
	s2 =	stileid.u32  }
0x73: {  	s1 =	rddreg [dreg:$0x1];
	p0 =	sne.s32 s2, $0x0  }
0x74: {  	s3 =	rddreg [dreg:$0x2];
	[bflag:$0x3] =	sbarrier.arrive $0xFFFF;
	s2 =	simm.s32 @!p0 $0x1C05  }
0x75: {  	[timem:s3], [sflag:s2] =	dma.local @!p0 [hbm:s0], s1  }
0x76: {  	s0 =	simm.s32 @!p0 $0x5  }
0x77: {  	_ =	swait.ge @!p0 [sflag:s0], s1  }
0x78: {  	s1 =	ssub.s32 @!p0 $0x0, s1;
	[sflag:s0] =	ssyncset.done @!p0 $0x0  }
0x79: {  	[sflag:s0] =	ssyncadd.s32 @!p0 s1  }
0x7a: {  	[bflag:$0x3] =	sbarrier.arrive $0xFFFF  }
0x7b: {  	_ =	shalt  }

</sc_bundles>
